<compile_context>
chip_gen: v7x
topology: tpu7x:2x2x1
jax: 0.10.2.dev20260603
libtpu: 0.0.44.dev20260713+nightly
codegen_flags: <defaults>
</compile_context>

<pallas_src>
import functools

import jax
import jax.numpy as jnp
from jax import lax
from jax.experimental import pallas as pl
from jax.experimental.pallas import tpu as pltpu
from jax.experimental.pallas import tpu_sc as plsc

N_FEATURES = 768
L1 = 1024
N_BUCKETS = 8
B = 16384
A = 32
TP = 776

NC = 2
NS = 16
NW = NC * NS
LANES = 16
CC = 256
TPW = TP // 4

NSPLIT = 2
HB = B // NSPLIT
RW = HB // NW

BB = 1024


assert RW == CC, "one counts chunk per worker per side"


def _sc_counts_body(stm_hbm, nstm_hbm, zeros_hbm, out_s, out_n, idx_v, cnt_v):
    wid = lax.axis_index("s") * NC + lax.axis_index("c")
    row0 = wid * RW
    pltpu.sync_copy(zeros_hbm, cnt_v)

    def scatter(sign):
        def grp(g, c2):
            v = idx_v[pl.ds(g * LANES, LANES)]
            row = jnp.zeros((LANES,), jnp.int32) + (g // 2)
            word = v >> 2
            add = sign << ((v & 3) << 3)
            plsc.addupdate_scatter(cnt_v, [row, word], add)
            return c2
        lax.fori_loop(0, CC * A // LANES, grp, 0)

    pltpu.sync_copy(stm_hbm.at[pl.ds(row0 * A, CC * A)], idx_v)
    scatter(jnp.int32(1))
    pltpu.sync_copy(cnt_v, out_s.at[pl.ds(row0, CC)])
    scatter(jnp.int32(-1))
    pltpu.sync_copy(nstm_hbm.at[pl.ds(row0 * A, CC * A)], idx_v)
    scatter(jnp.int32(1))
    pltpu.sync_copy(cnt_v, out_n.at[pl.ds(row0, CC)])


@functools.partial(
    pl.kernel,
    out_type=[jax.ShapeDtypeStruct((HB, TPW), jnp.int32),
              jax.ShapeDtypeStruct((HB, TPW), jnp.int32)],
    mesh=plsc.VectorSubcoreMesh(core_axis_name="c", subcore_axis_name="s"),
    scratch_types=[pltpu.VMEM((CC * A,), jnp.int32),
                   pltpu.VMEM((CC, TPW), jnp.int32)],
    compiler_params=pltpu.CompilerParams(needs_layout_passes=False),
)
def _sc_counts(*args):
    _sc_counts_body(*args)


def _dense_block(cs_ref, cn_ref, stm_ref, t0_ref, t1_ref, t2_ref, t3_ref,
                 bias_ref, w1_ref, w2_ref, b2_ref, out_ref):
    def half(c_ref, w_ref):
        c32 = c_ref[...]
        emb = bias_ref[...].astype(jnp.float32)
        for j, t_ref in enumerate((t0_ref, t1_ref, t2_ref, t3_ref)):
            cj = ((c32 >> (8 * j)) & 0xFF).astype(jnp.bfloat16)
            emb = emb + jnp.dot(cj, t_ref[...],
                                preferred_element_type=jnp.float32)
        h = jnp.clip(emb, 0.0, 1.0)
        h = h * h
        return jnp.dot(h.astype(jnp.bfloat16), w_ref[...],
                       preferred_element_type=jnp.float32)

    p = half(cs_ref, w1_ref) + half(cn_ref, w2_ref) + b2_ref[...]

    count = jnp.sum((stm_ref[...] != N_FEATURES).astype(jnp.int32), axis=1,
                    keepdims=True)
    bucket = ((count + 30) // 4) % N_BUCKETS
    sel = (bucket == lax.broadcasted_iota(jnp.int32, (BB, N_BUCKETS), 1))
    out_ref[...] = jnp.sum(p * sel.astype(jnp.float32), axis=1, keepdims=True)


def _dense_call(counts_s, counts_n, stm_h, tabs, bias2d, w1, w2, b2d):
    grid = (HB // BB,)
    return pl.pallas_call(
        _dense_block,
        grid=grid,
        in_specs=[
            pl.BlockSpec((BB, TPW), lambda i: (i, 0)),
            pl.BlockSpec((BB, TPW), lambda i: (i, 0)),
            pl.BlockSpec((BB, A), lambda i: (i, 0)),
            pl.BlockSpec((TPW, L1), lambda i: (0, 0)),
            pl.BlockSpec((TPW, L1), lambda i: (0, 0)),
            pl.BlockSpec((TPW, L1), lambda i: (0, 0)),
            pl.BlockSpec((TPW, L1), lambda i: (0, 0)),
            pl.BlockSpec((1, L1), lambda i: (0, 0)),
            pl.BlockSpec((L1, N_BUCKETS), lambda i: (0, 0)),
            pl.BlockSpec((L1, N_BUCKETS), lambda i: (0, 0)),
            pl.BlockSpec((1, N_BUCKETS), lambda i: (0, 0)),
        ],
        out_specs=pl.BlockSpec((BB, 1), lambda i: (i, 0)),
        out_shape=jax.ShapeDtypeStruct((HB, 1), jnp.float32),
    )(counts_s, counts_n, stm_h, *tabs, bias2d, w1, w2, b2d)


@jax.jit
def kernel(stm_indices, nstm_indices, table, input_bias, W, b):
    tab = table.at[N_FEATURES].set(0.0)
    tab = jnp.pad(tab, ((0, TP - (N_FEATURES + 1)), (0, 0)))
    tabs = [tab[j::4].astype(jnp.bfloat16) for j in range(4)]
    w1 = W[:, :L1].T.astype(jnp.bfloat16)
    w2 = W[:, L1:].T.astype(jnp.bfloat16)
    bias2d = input_bias[None, :]
    b2d = b[None, :]
    stm = stm_indices.astype(jnp.int32)
    nstm = nstm_indices.astype(jnp.int32)
    stm_flat = stm.reshape(B * A)
    nstm_flat = nstm.reshape(B * A)

    zeros = jnp.zeros((CC, TPW), jnp.int32)
    counts = [
        _sc_counts(stm_flat[h * HB * A:(h + 1) * HB * A],
                   nstm_flat[h * HB * A:(h + 1) * HB * A], zeros)
        for h in range(NSPLIT)
    ]
    outs = [
        _dense_call(counts[h][0], counts[h][1], stm[h * HB:(h + 1) * HB],
                    tabs, bias2d, w1, w2, b2d)
        for h in range(NSPLIT)
    ]
    return jnp.concatenate(outs, axis=0)

# --- scband reference (transcript-rebuilt; emitter-appended) ---
"""Pipeline reference for scband-nnue-21680994910623 (READ-ONLY COPY).

The authoritative reference and input builder live on the scoring server;
editing this copy changes nothing except your own understanding.
"""

import jax, jax.numpy as jnp
import numpy as np

N_FEATURES = 768
L1 = 1024
N_BUCKETS = 8
B = 16384
A = 32


def setup_inputs(seed: int = 0) -> dict:
    key = jax.random.key(seed)
    k1, k2, k3, k4, k5, k6 = jax.random.split(key, 6)
    stm_indices = jax.random.randint(k1, (B, A), 0, N_FEATURES + 1)
    nstm_indices = jax.random.randint(k2, (B, A), 0, N_FEATURES + 1)
    scale = N_FEATURES ** (-0.5)
    table = jax.random.uniform(k3, (N_FEATURES + 1, L1), minval=-scale, maxval=scale, dtype=jnp.float32)
    input_bias = jax.random.uniform(k4, (L1,), minval=-scale, maxval=scale, dtype=jnp.float32)
    # hidden layers: N_BUCKETS linear layers mapping 2*L1 -> 1, stacked
    lim = (2 * L1) ** (-0.5)
    W = jax.random.uniform(k5, (N_BUCKETS, 2 * L1), minval=-lim, maxval=lim, dtype=jnp.float32)
    b = jax.random.uniform(k6, (N_BUCKETS,), minval=-lim, maxval=lim, dtype=jnp.float32)
    return {"stm_indices": stm_indices, "nstm_indices": nstm_indices, "table": table, "input_bias": input_bias, "W": W, "b": b}


def reference(stm_indices, nstm_indices, table, input_bias, W, b):
    pad = N_FEATURES
    # bucket index: (#non-padding stm features - 2) // ceil(32 / N_BUCKETS)
    div = -(32 // -N_BUCKETS)
    count = jnp.sum(stm_indices != pad, axis=-1, keepdims=True)
    bucket_idx = jnp.floor_divide(count - 2, div).astype(jnp.int32)

    def bag_sum(idx):
        # EmbeddingBag(mode='sum', padding_idx=pad): gather rows, exclude padding from the sum
        emb = jnp.take(table, idx, axis=0)  # [B, A, L1]
        mask = (idx != pad).astype(emb.dtype)[..., None]
        return jnp.sum(emb * mask, axis=1)  # [B, L1]

    stm_embeddings = bag_sum(stm_indices) + input_bias
    nstm_embeddings = bag_sum(nstm_indices) + input_bias
    embeddings = jnp.concatenate([stm_embeddings, nstm_embeddings], axis=-1)
    embeddings = jnp.clip(embeddings, 0.0, 1.0) ** 2  # clipped-relu squared
    out_all = embeddings @ W.T + b  # [B, N_BUCKETS]
    out = jnp.take_along_axis(out_all, bucket_idx, axis=-1)  # [B, 1]
    return out

if __name__ == "__main__":
    import jax
    _d = setup_inputs()
    print(jax.jit(kernel)(*tuple(_d.values())))

</pallas_src>

<mosaic_0001>
#map = affine_map<(d0, d1) -> (0)>
#map1 = affine_map<(d0, d1) -> (0, 0)>
module attributes {stable_mosaic.version = 14 : i64} {
  func.func @_sc_counts(%arg0: i32, %arg1: i32, %arg2: memref<262144xi32, #tpu.memory_space<hbm>>, %arg3: memref<262144xi32, #tpu.memory_space<hbm>>, %arg4: memref<256x194xi32, #tpu.memory_space<hbm>>, %arg5: memref<8192x194xi32, #tpu.memory_space<hbm>>, %arg6: memref<8192x194xi32, #tpu.memory_space<hbm>>, %arg7: memref<8192xi32, #tpu.memory_space<vmem>>, %arg8: memref<256x194xi32, #tpu.memory_space<vmem>>) attributes {dimension_semantics = [#tpu.dimension_semantics<core_parallel>, #tpu.dimension_semantics<subcore_parallel>], iteration_bounds = array<i64: 2, 16>, scalar_prefetch = 0 : i64, scratch_operands = 2 : i64, tpu.core_type = #tpu.core_type<sc_vector_subcore>, window_params = [{transform_indices = #map}, {transform_indices = #map}, {transform_indices = #map1}, {transform_indices = #map1}, {transform_indices = #map1}]} {
    %mul3A = arith.constant 2 : i32
    %mul3A_0 = arith.muli %arg1, %mul3A : i32
    %add3A = arith.addi %mul3A_0, %arg0 : i32
    %mul3A_1 = arith.constant 256 : i32
    %mul3A_2 = arith.muli %add3A, %mul3A_1 : i32
    "tpu.region"() ({
      %run_scoped3A = tpu.sem_alloc : memref<!tpu.dma_semaphore, #tpu.memory_space<semaphore_mem>>
      tpu.enqueue_dma source(%arg4 : memref<256x194xi32, #tpu.memory_space<hbm>>) target(%arg8 : memref<256x194xi32, #tpu.memory_space<vmem>>) target_semaphore(%run_scoped3A : memref<!tpu.dma_semaphore, #tpu.memory_space<semaphore_mem>>)
      tpu.wait_dma2 semaphore(%run_scoped3A : memref<!tpu.dma_semaphore, #tpu.memory_space<semaphore_mem>>) src(%arg4 : memref<256x194xi32, #tpu.memory_space<hbm>>) dst(%arg8 : memref<256x194xi32, #tpu.memory_space<vmem>>)
      tpu.yield
    }) : () -> ()
    %mul3A_3 = arith.constant 32 : i32
    %mul3A_4 = arith.muli %mul3A_2, %mul3A_3 : i32
    "tpu.region"() ({
      %run_scoped3A = tpu.sem_alloc : memref<!tpu.dma_semaphore, #tpu.memory_space<semaphore_mem>>
      %dma_start3A = tpu.memref_slice %arg2[%mul3A_4] : memref<262144xi32, #tpu.memory_space<hbm>> -> memref<8192xi32, #tpu.memory_space<hbm>>
      %dma_start3A_27 = tpu.memref_slice %arg2[%mul3A_4] : memref<262144xi32, #tpu.memory_space<hbm>> -> memref<8192xi32, #tpu.memory_space<hbm>>
      tpu.enqueue_dma source(%dma_start3A_27 : memref<8192xi32, #tpu.memory_space<hbm>>) target(%arg7 : memref<8192xi32, #tpu.memory_space<vmem>>) target_semaphore(%run_scoped3A : memref<!tpu.dma_semaphore, #tpu.memory_space<semaphore_mem>>)
      %dma_wait3A = tpu.memref_slice %arg2[%mul3A_4] : memref<262144xi32, #tpu.memory_space<hbm>> -> memref<8192xi32, #tpu.memory_space<hbm>>
      %dma_wait3A_28 = tpu.memref_slice %arg2[%mul3A_4] : memref<262144xi32, #tpu.memory_space<hbm>> -> memref<8192xi32, #tpu.memory_space<hbm>>
      tpu.wait_dma2 semaphore(%run_scoped3A : memref<!tpu.dma_semaphore, #tpu.memory_space<semaphore_mem>>) src(%dma_wait3A_28 : memref<8192xi32, #tpu.memory_space<hbm>>) dst(%arg7 : memref<8192xi32, #tpu.memory_space<vmem>>)
      tpu.yield
    }) : () -> ()
    %scan3A = arith.constant 0 : i32
    %scan3A_5 = arith.constant 1 : i32
    %scan3A_6 = arith.constant 0 : i32
    %scan3A_7 = arith.constant 512 : i32
    %scan3A_8 = arith.addi %scan3A_6, %scan3A_7 : i32
    %scan3A_9 = arith.constant 1 : i32
    scf.for %scan3A_27 = %scan3A_6 to %scan3A_8 step %scan3A_9  : i32 {
      %mul3A_28 = arith.constant 16 : i32
      %mul3A_29 = arith.muli %scan3A_27, %mul3A_28 : i32
      %get3A = arith.index_cast %mul3A_29 : i32 to index
      %get3A_30 = tpu.vector_load %arg7[%get3A] {strides = array<i32>} : memref<8192xi32, #tpu.memory_space<vmem>>, vector<16xi32>,
      %broadcast_in_dim3A = arith.constant 0 : i32
      %broadcast_in_dim3A_31 = vector.broadcast %broadcast_in_dim3A : i32 to vector<16xi32>
      %jit3A = arith.constant 2 : i32
      %div3A = arith.divsi %scan3A_27, %jit3A : i32
      %sign3A = arith.constant 0 : i32
      %sign3A_32 = arith.cmpi sgt, %scan3A_27, %sign3A : i32
      %sign3A_33 = arith.extui %sign3A_32 : i1 to i32
      %sign3A_34 = arith.constant 0 : i32
      %sign3A_35 = arith.cmpi slt, %scan3A_27, %sign3A_34 : i32
      %sign3A_36 = arith.extui %sign3A_35 : i1 to i32
      %sign3A_37 = arith.subi %sign3A_33, %sign3A_36 : i32
      %sign3A_38 = arith.constant 0 : i32
      %sign3A_39 = arith.cmpi sgt, %jit3A, %sign3A_38 : i32
      %sign3A_40 = arith.extui %sign3A_39 : i1 to i32
      %sign3A_41 = arith.constant 0 : i32
      %sign3A_42 = arith.cmpi slt, %jit3A, %sign3A_41 : i32
      %sign3A_43 = arith.extui %sign3A_42 : i1 to i32
      %sign3A_44 = arith.subi %sign3A_40, %sign3A_43 : i32
      %ne3A = arith.cmpi ne, %sign3A_37, %sign3A_44 : i32
      %rem3A = arith.remsi %scan3A_27, %jit3A : i32
      %ne3A_45 = arith.constant 0 : i32
      %ne3A_46 = arith.cmpi ne, %rem3A, %ne3A_45 : i32
      %and3A = arith.andi %ne3A, %ne3A_46 : i1
      %sub3A = arith.constant 1 : i32
      %sub3A_47 = arith.subi %div3A, %sub3A : i32
      %select_n3A = arith.select %and3A, %sub3A_47, %div3A : i32
      %add3A_48 = vector.broadcast %select_n3A : i32 to vector<16xi32>
      %add3A_49 = arith.addi %broadcast_in_dim3A_31, %add3A_48 : vector<16xi32>
      %shift_right_arithmetic3A = arith.constant 2 : i32
      %shift_right_arithmetic3A_50 = vector.broadcast %shift_right_arithmetic3A : i32 to vector<16xi32>
      %shift_right_arithmetic3A_51 = arith.shrsi %get3A_30, %shift_right_arithmetic3A_50 : vector<16xi32>
      %and3A_52 = arith.constant 3 : i32
      %and3A_53 = vector.broadcast %and3A_52 : i32 to vector<16xi32>
      %and3A_54 = arith.andi %get3A_30, %and3A_53 : vector<16xi32>
      %shift_left3A = arith.constant 3 : i32
      %shift_left3A_55 = vector.broadcast %shift_left3A : i32 to vector<16xi32>
      %shift_left3A_56 = arith.shli %and3A_54, %shift_left3A_55 : vector<16xi32>
      %shift_left3A_57 = vector.broadcast %scan3A_5 : i32 to vector<16xi32>
      %shift_left3A_58 = arith.shli %shift_left3A_57, %shift_left3A_56 : vector<16xi32>
      tpu.vector_store_idx %arg8[%add3A_49, %shift_right_arithmetic3A_51], %shift_left3A_58 {add = true} : memref<256x194xi32, #tpu.memory_space<vmem>>[vector<16xi32>, vector<16xi32>], vector<16xi32>,
    }
    %scan3A_10 = arith.constant 512 : i32
    "tpu.region"() ({
      %run_scoped3A = tpu.sem_alloc : memref<!tpu.dma_semaphore, #tpu.memory_space<semaphore_mem>>
      %dma_start3A = arith.constant 0 : i32
      %dma_start3A_27 = tpu.memref_slice %arg5[%mul3A_2, %dma_start3A] : memref<8192x194xi32, #tpu.memory_space<hbm>> -> memref<256x194xi32, #tpu.memory_space<hbm>>
      %dma_start3A_28 = arith.constant 0 : i32
      %dma_start3A_29 = tpu.memref_slice %arg5[%mul3A_2, %dma_start3A_28] : memref<8192x194xi32, #tpu.memory_space<hbm>> -> memref<256x194xi32, #tpu.memory_space<hbm>>
      tpu.enqueue_dma source(%arg8 : memref<256x194xi32, #tpu.memory_space<vmem>>) target(%dma_start3A_29 : memref<256x194xi32, #tpu.memory_space<hbm>>) target_semaphore(%run_scoped3A : memref<!tpu.dma_semaphore, #tpu.memory_space<semaphore_mem>>)
      %dma_wait3A = arith.constant 0 : i32
      %dma_wait3A_30 = tpu.memref_slice %arg5[%mul3A_2, %dma_wait3A] : memref<8192x194xi32, #tpu.memory_space<hbm>> -> memref<256x194xi32, #tpu.memory_space<hbm>>
      %dma_wait3A_31 = arith.constant 0 : i32
      %dma_wait3A_32 = tpu.memref_slice %arg5[%mul3A_2, %dma_wait3A_31] : memref<8192x194xi32, #tpu.memory_space<hbm>> -> memref<256x194xi32, #tpu.memory_space<hbm>>
      tpu.wait_dma2 semaphore(%run_scoped3A : memref<!tpu.dma_semaphore, #tpu.memory_space<semaphore_mem>>) src(%arg8 : memref<256x194xi32, #tpu.memory_space<vmem>>) dst(%dma_wait3A_32 : memref<256x194xi32, #tpu.memory_space<hbm>>)
      tpu.yield
    }) : () -> ()
    %scan3A_11 = arith.constant 0 : i32
    %scan3A_12 = arith.constant -1 : i32
    %scan3A_13 = arith.constant 0 : i32
    %scan3A_14 = arith.constant 512 : i32
    %scan3A_15 = arith.addi %scan3A_13, %scan3A_14 : i32
    %scan3A_16 = arith.constant 1 : i32
    scf.for %scan3A_27 = %scan3A_13 to %scan3A_15 step %scan3A_16  : i32 {
      %mul3A_28 = arith.constant 16 : i32
      %mul3A_29 = arith.muli %scan3A_27, %mul3A_28 : i32
      %get3A = arith.index_cast %mul3A_29 : i32 to index
      %get3A_30 = tpu.vector_load %arg7[%get3A] {strides = array<i32>} : memref<8192xi32, #tpu.memory_space<vmem>>, vector<16xi32>,
      %broadcast_in_dim3A = arith.constant 0 : i32
      %broadcast_in_dim3A_31 = vector.broadcast %broadcast_in_dim3A : i32 to vector<16xi32>
      %jit3A = arith.constant 2 : i32
      %div3A = arith.divsi %scan3A_27, %jit3A : i32
      %sign3A = arith.constant 0 : i32
      %sign3A_32 = arith.cmpi sgt, %scan3A_27, %sign3A : i32
      %sign3A_33 = arith.extui %sign3A_32 : i1 to i32
      %sign3A_34 = arith.constant 0 : i32
      %sign3A_35 = arith.cmpi slt, %scan3A_27, %sign3A_34 : i32
      %sign3A_36 = arith.extui %sign3A_35 : i1 to i32
      %sign3A_37 = arith.subi %sign3A_33, %sign3A_36 : i32
      %sign3A_38 = arith.constant 0 : i32
      %sign3A_39 = arith.cmpi sgt, %jit3A, %sign3A_38 : i32
      %sign3A_40 = arith.extui %sign3A_39 : i1 to i32
      %sign3A_41 = arith.constant 0 : i32
      %sign3A_42 = arith.cmpi slt, %jit3A, %sign3A_41 : i32
      %sign3A_43 = arith.extui %sign3A_42 : i1 to i32
      %sign3A_44 = arith.subi %sign3A_40, %sign3A_43 : i32
      %ne3A = arith.cmpi ne, %sign3A_37, %sign3A_44 : i32
      %rem3A = arith.remsi %scan3A_27, %jit3A : i32
      %ne3A_45 = arith.constant 0 : i32
      %ne3A_46 = arith.cmpi ne, %rem3A, %ne3A_45 : i32
      %and3A = arith.andi %ne3A, %ne3A_46 : i1
      %sub3A = arith.constant 1 : i32
      %sub3A_47 = arith.subi %div3A, %sub3A : i32
      %select_n3A = arith.select %and3A, %sub3A_47, %div3A : i32
      %add3A_48 = vector.broadcast %select_n3A : i32 to vector<16xi32>
      %add3A_49 = arith.addi %broadcast_in_dim3A_31, %add3A_48 : vector<16xi32>
      %shift_right_arithmetic3A = arith.constant 2 : i32
      %shift_right_arithmetic3A_50 = vector.broadcast %shift_right_arithmetic3A : i32 to vector<16xi32>
      %shift_right_arithmetic3A_51 = arith.shrsi %get3A_30, %shift_right_arithmetic3A_50 : vector<16xi32>
      %and3A_52 = arith.constant 3 : i32
      %and3A_53 = vector.broadcast %and3A_52 : i32 to vector<16xi32>
      %and3A_54 = arith.andi %get3A_30, %and3A_53 : vector<16xi32>
      %shift_left3A = arith.constant 3 : i32
      %shift_left3A_55 = vector.broadcast %shift_left3A : i32 to vector<16xi32>
      %shift_left3A_56 = arith.shli %and3A_54, %shift_left3A_55 : vector<16xi32>
      %shift_left3A_57 = vector.broadcast %scan3A_12 : i32 to vector<16xi32>
      %shift_left3A_58 = arith.shli %shift_left3A_57, %shift_left3A_56 : vector<16xi32>
      tpu.vector_store_idx %arg8[%add3A_49, %shift_right_arithmetic3A_51], %shift_left3A_58 {add = true} : memref<256x194xi32, #tpu.memory_space<vmem>>[vector<16xi32>, vector<16xi32>], vector<16xi32>,
    }
    %scan3A_17 = arith.constant 512 : i32
    %mul3A_18 = arith.constant 32 : i32
    %mul3A_19 = arith.muli %mul3A_2, %mul3A_18 : i32
    "tpu.region"() ({
      %run_scoped3A = tpu.sem_alloc : memref<!tpu.dma_semaphore, #tpu.memory_space<semaphore_mem>>
      %dma_start3A = tpu.memref_slice %arg3[%mul3A_19] : memref<262144xi32, #tpu.memory_space<hbm>> -> memref<8192xi32, #tpu.memory_space<hbm>>
      %dma_start3A_27 = tpu.memref_slice %arg3[%mul3A_19] : memref<262144xi32, #tpu.memory_space<hbm>> -> memref<8192xi32, #tpu.memory_space<hbm>>
      tpu.enqueue_dma source(%dma_start3A_27 : memref<8192xi32, #tpu.memory_space<hbm>>) target(%arg7 : memref<8192xi32, #tpu.memory_space<vmem>>) target_semaphore(%run_scoped3A : memref<!tpu.dma_semaphore, #tpu.memory_space<semaphore_mem>>)
      %dma_wait3A = tpu.memref_slice %arg3[%mul3A_19] : memref<262144xi32, #tpu.memory_space<hbm>> -> memref<8192xi32, #tpu.memory_space<hbm>>
      %dma_wait3A_28 = tpu.memref_slice %arg3[%mul3A_19] : memref<262144xi32, #tpu.memory_space<hbm>> -> memref<8192xi32, #tpu.memory_space<hbm>>
      tpu.wait_dma2 semaphore(%run_scoped3A : memref<!tpu.dma_semaphore, #tpu.memory_space<semaphore_mem>>) src(%dma_wait3A_28 : memref<8192xi32, #tpu.memory_space<hbm>>) dst(%arg7 : memref<8192xi32, #tpu.memory_space<vmem>>)
      tpu.yield
    }) : () -> ()
    %scan3A_20 = arith.constant 0 : i32
    %scan3A_21 = arith.constant 1 : i32
    %scan3A_22 = arith.constant 0 : i32
    %scan3A_23 = arith.constant 512 : i32
    %scan3A_24 = arith.addi %scan3A_22, %scan3A_23 : i32
    %scan3A_25 = arith.constant 1 : i32
    scf.for %scan3A_27 = %scan3A_22 to %scan3A_24 step %scan3A_25  : i32 {
      %mul3A_28 = arith.constant 16 : i32
      %mul3A_29 = arith.muli %scan3A_27, %mul3A_28 : i32
      %get3A = arith.index_cast %mul3A_29 : i32 to index
      %get3A_30 = tpu.vector_load %arg7[%get3A] {strides = array<i32>} : memref<8192xi32, #tpu.memory_space<vmem>>, vector<16xi32>,
      %broadcast_in_dim3A = arith.constant 0 : i32
      %broadcast_in_dim3A_31 = vector.broadcast %broadcast_in_dim3A : i32 to vector<16xi32>
      %jit3A = arith.constant 2 : i32
      %div3A = arith.divsi %scan3A_27, %jit3A : i32
      %sign3A = arith.constant 0 : i32
      %sign3A_32 = arith.cmpi sgt, %scan3A_27, %sign3A : i32
      %sign3A_33 = arith.extui %sign3A_32 : i1 to i32
      %sign3A_34 = arith.constant 0 : i32
      %sign3A_35 = arith.cmpi slt, %scan3A_27, %sign3A_34 : i32
      %sign3A_36 = arith.extui %sign3A_35 : i1 to i32
      %sign3A_37 = arith.subi %sign3A_33, %sign3A_36 : i32
      %sign3A_38 = arith.constant 0 : i32
      %sign3A_39 = arith.cmpi sgt, %jit3A, %sign3A_38 : i32
      %sign3A_40 = arith.extui %sign3A_39 : i1 to i32
      %sign3A_41 = arith.constant 0 : i32
      %sign3A_42 = arith.cmpi slt, %jit3A, %sign3A_41 : i32
      %sign3A_43 = arith.extui %sign3A_42 : i1 to i32
      %sign3A_44 = arith.subi %sign3A_40, %sign3A_43 : i32
      %ne3A = arith.cmpi ne, %sign3A_37, %sign3A_44 : i32
      %rem3A = arith.remsi %scan3A_27, %jit3A : i32
      %ne3A_45 = arith.constant 0 : i32
      %ne3A_46 = arith.cmpi ne, %rem3A, %ne3A_45 : i32
      %and3A = arith.andi %ne3A, %ne3A_46 : i1
      %sub3A = arith.constant 1 : i32
      %sub3A_47 = arith.subi %div3A, %sub3A : i32
      %select_n3A = arith.select %and3A, %sub3A_47, %div3A : i32
      %add3A_48 = vector.broadcast %select_n3A : i32 to vector<16xi32>
      %add3A_49 = arith.addi %broadcast_in_dim3A_31, %add3A_48 : vector<16xi32>
      %shift_right_arithmetic3A = arith.constant 2 : i32
      %shift_right_arithmetic3A_50 = vector.broadcast %shift_right_arithmetic3A : i32 to vector<16xi32>
      %shift_right_arithmetic3A_51 = arith.shrsi %get3A_30, %shift_right_arithmetic3A_50 : vector<16xi32>
      %and3A_52 = arith.constant 3 : i32
      %and3A_53 = vector.broadcast %and3A_52 : i32 to vector<16xi32>
      %and3A_54 = arith.andi %get3A_30, %and3A_53 : vector<16xi32>
      %shift_left3A = arith.constant 3 : i32
      %shift_left3A_55 = vector.broadcast %shift_left3A : i32 to vector<16xi32>
      %shift_left3A_56 = arith.shli %and3A_54, %shift_left3A_55 : vector<16xi32>
      %shift_left3A_57 = vector.broadcast %scan3A_21 : i32 to vector<16xi32>
      %shift_left3A_58 = arith.shli %shift_left3A_57, %shift_left3A_56 : vector<16xi32>
      tpu.vector_store_idx %arg8[%add3A_49, %shift_right_arithmetic3A_51], %shift_left3A_58 {add = true} : memref<256x194xi32, #tpu.memory_space<vmem>>[vector<16xi32>, vector<16xi32>], vector<16xi32>,
    }
    %scan3A_26 = arith.constant 512 : i32
    "tpu.region"() ({
      %run_scoped3A = tpu.sem_alloc : memref<!tpu.dma_semaphore, #tpu.memory_space<semaphore_mem>>
      %dma_start3A = arith.constant 0 : i32
      %dma_start3A_27 = tpu.memref_slice %arg6[%mul3A_2, %dma_start3A] : memref<8192x194xi32, #tpu.memory_space<hbm>> -> memref<256x194xi32, #tpu.memory_space<hbm>>
      %dma_start3A_28 = arith.constant 0 : i32
      %dma_start3A_29 = tpu.memref_slice %arg6[%mul3A_2, %dma_start3A_28] : memref<8192x194xi32, #tpu.memory_space<hbm>> -> memref<256x194xi32, #tpu.memory_space<hbm>>
      tpu.enqueue_dma source(%arg8 : memref<256x194xi32, #tpu.memory_space<vmem>>) target(%dma_start3A_29 : memref<256x194xi32, #tpu.memory_space<hbm>>) target_semaphore(%run_scoped3A : memref<!tpu.dma_semaphore, #tpu.memory_space<semaphore_mem>>)
      %dma_wait3A = arith.constant 0 : i32
      %dma_wait3A_30 = tpu.memref_slice %arg6[%mul3A_2, %dma_wait3A] : memref<8192x194xi32, #tpu.memory_space<hbm>> -> memref<256x194xi32, #tpu.memory_space<hbm>>
      %dma_wait3A_31 = arith.constant 0 : i32
      %dma_wait3A_32 = tpu.memref_slice %arg6[%mul3A_2, %dma_wait3A_31] : memref<8192x194xi32, #tpu.memory_space<hbm>> -> memref<256x194xi32, #tpu.memory_space<hbm>>
      tpu.wait_dma2 semaphore(%run_scoped3A : memref<!tpu.dma_semaphore, #tpu.memory_space<semaphore_mem>>) src(%arg8 : memref<256x194xi32, #tpu.memory_space<vmem>>) dst(%dma_wait3A_32 : memref<256x194xi32, #tpu.memory_space<hbm>>)
      tpu.yield
    }) : () -> ()
    return
  }
}

#map = affine_map<(d0, d1) -> (0)>
#map1 = affine_map<(d0, d1) -> (0, 0)>
module attributes {stable_mosaic.version = 14 : i64} {
  func.func @_sc_counts(%arg0: i32, %arg1: i32, %arg2: memref<262144xi32, #tpu.memory_space<hbm>>, %arg3: memref<262144xi32, #tpu.memory_space<hbm>>, %arg4: memref<256x194xi32, #tpu.memory_space<hbm>>, %arg5: memref<8192x194xi32, #tpu.memory_space<hbm>>, %arg6: memref<8192x194xi32, #tpu.memory_space<hbm>>, %arg7: memref<8192xi32, #tpu.memory_space<vmem>>, %arg8: memref<256x194xi32, #tpu.memory_space<vmem>>) attributes {dimension_semantics = [#tpu.dimension_semantics<core_parallel>, #tpu.dimension_semantics<subcore_parallel>], iteration_bounds = array<i64: 2, 16>, scalar_prefetch = 0 : i64, scratch_operands = 2 : i64, tpu.core_type = #tpu.core_type<sc_vector_subcore>, window_params = [{transform_indices = #map}, {transform_indices = #map}, {transform_indices = #map1}, {transform_indices = #map1}, {transform_indices = #map1}]} {
    %mul3A = arith.constant 2 : i32
    %mul3A_0 = arith.muli %arg1, %mul3A : i32
    %add3A = arith.addi %mul3A_0, %arg0 : i32
    %mul3A_1 = arith.constant 256 : i32
    %mul3A_2 = arith.muli %add3A, %mul3A_1 : i32
    "tpu.region"() ({
      %run_scoped3A = tpu.sem_alloc : memref<!tpu.dma_semaphore, #tpu.memory_space<semaphore_mem>>
      tpu.enqueue_dma source(%arg4 : memref<256x194xi32, #tpu.memory_space<hbm>>) target(%arg8 : memref<256x194xi32, #tpu.memory_space<vmem>>) target_semaphore(%run_scoped3A : memref<!tpu.dma_semaphore, #tpu.memory_space<semaphore_mem>>)
      tpu.wait_dma2 semaphore(%run_scoped3A : memref<!tpu.dma_semaphore, #tpu.memory_space<semaphore_mem>>) src(%arg4 : memref<256x194xi32, #tpu.memory_space<hbm>>) dst(%arg8 : memref<256x194xi32, #tpu.memory_space<vmem>>)
      tpu.yield
    }) : () -> ()
    %mul3A_3 = arith.constant 32 : i32
    %mul3A_4 = arith.muli %mul3A_2, %mul3A_3 : i32
    "tpu.region"() ({
      %run_scoped3A = tpu.sem_alloc : memref<!tpu.dma_semaphore, #tpu.memory_space<semaphore_mem>>
      %dma_start3A = tpu.memref_slice %arg2[%mul3A_4] : memref<262144xi32, #tpu.memory_space<hbm>> -> memref<8192xi32, #tpu.memory_space<hbm>>
      %dma_start3A_27 = tpu.memref_slice %arg2[%mul3A_4] : memref<262144xi32, #tpu.memory_space<hbm>> -> memref<8192xi32, #tpu.memory_space<hbm>>
      tpu.enqueue_dma source(%dma_start3A_27 : memref<8192xi32, #tpu.memory_space<hbm>>) target(%arg7 : memref<8192xi32, #tpu.memory_space<vmem>>) target_semaphore(%run_scoped3A : memref<!tpu.dma_semaphore, #tpu.memory_space<semaphore_mem>>)
      %dma_wait3A = tpu.memref_slice %arg2[%mul3A_4] : memref<262144xi32, #tpu.memory_space<hbm>> -> memref<8192xi32, #tpu.memory_space<hbm>>
      %dma_wait3A_28 = tpu.memref_slice %arg2[%mul3A_4] : memref<262144xi32, #tpu.memory_space<hbm>> -> memref<8192xi32, #tpu.memory_space<hbm>>
      tpu.wait_dma2 semaphore(%run_scoped3A : memref<!tpu.dma_semaphore, #tpu.memory_space<semaphore_mem>>) src(%dma_wait3A_28 : memref<8192xi32, #tpu.memory_space<hbm>>) dst(%arg7 : memref<8192xi32, #tpu.memory_space<vmem>>)
      tpu.yield
    }) : () -> ()
    %scan3A = arith.constant 0 : i32
    %scan3A_5 = arith.constant 1 : i32
    %scan3A_6 = arith.constant 0 : i32
    %scan3A_7 = arith.constant 512 : i32
    %scan3A_8 = arith.addi %scan3A_6, %scan3A_7 : i32
    %scan3A_9 = arith.constant 1 : i32
    scf.for %scan3A_27 = %scan3A_6 to %scan3A_8 step %scan3A_9  : i32 {
      %mul3A_28 = arith.constant 16 : i32
      %mul3A_29 = arith.muli %scan3A_27, %mul3A_28 : i32
      %get3A = arith.index_cast %mul3A_29 : i32 to index
      %get3A_30 = tpu.vector_load %arg7[%get3A] {strides = array<i32>} : memref<8192xi32, #tpu.memory_space<vmem>>, vector<16xi32>,
      %broadcast_in_dim3A = arith.constant 0 : i32
      %broadcast_in_dim3A_31 = vector.broadcast %broadcast_in_dim3A : i32 to vector<16xi32>
      %jit3A = arith.constant 2 : i32
      %div3A = arith.divsi %scan3A_27, %jit3A : i32
      %sign3A = arith.constant 0 : i32
      %sign3A_32 = arith.cmpi sgt, %scan3A_27, %sign3A : i32
      %sign3A_33 = arith.extui %sign3A_32 : i1 to i32
      %sign3A_34 = arith.constant 0 : i32
      %sign3A_35 = arith.cmpi slt, %scan3A_27, %sign3A_34 : i32
      %sign3A_36 = arith.extui %sign3A_35 : i1 to i32
      %sign3A_37 = arith.subi %sign3A_33, %sign3A_36 : i32
      %sign3A_38 = arith.constant 0 : i32
      %sign3A_39 = arith.cmpi sgt, %jit3A, %sign3A_38 : i32
      %sign3A_40 = arith.extui %sign3A_39 : i1 to i32
      %sign3A_41 = arith.constant 0 : i32
      %sign3A_42 = arith.cmpi slt, %jit3A, %sign3A_41 : i32
      %sign3A_43 = arith.extui %sign3A_42 : i1 to i32
      %sign3A_44 = arith.subi %sign3A_40, %sign3A_43 : i32
      %ne3A = arith.cmpi ne, %sign3A_37, %sign3A_44 : i32
      %rem3A = arith.remsi %scan3A_27, %jit3A : i32
      %ne3A_45 = arith.constant 0 : i32
      %ne3A_46 = arith.cmpi ne, %rem3A, %ne3A_45 : i32
      %and3A = arith.andi %ne3A, %ne3A_46 : i1
      %sub3A = arith.constant 1 : i32
      %sub3A_47 = arith.subi %div3A, %sub3A : i32
      %select_n3A = arith.select %and3A, %sub3A_47, %div3A : i32
      %add3A_48 = vector.broadcast %select_n3A : i32 to vector<16xi32>
      %add3A_49 = arith.addi %broadcast_in_dim3A_31, %add3A_48 : vector<16xi32>
      %shift_right_arithmetic3A = arith.constant 2 : i32
      %shift_right_arithmetic3A_50 = vector.broadcast %shift_right_arithmetic3A : i32 to vector<16xi32>
      %shift_right_arithmetic3A_51 = arith.shrsi %get3A_30, %shift_right_arithmetic3A_50 : vector<16xi32>
      %and3A_52 = arith.constant 3 : i32
      %and3A_53 = vector.broadcast %and3A_52 : i32 to vector<16xi32>
      %and3A_54 = arith.andi %get3A_30, %and3A_53 : vector<16xi32>
      %shift_left3A = arith.constant 3 : i32
      %shift_left3A_55 = vector.broadcast %shift_left3A : i32 to vector<16xi32>
      %shift_left3A_56 = arith.shli %and3A_54, %shift_left3A_55 : vector<16xi32>
      %shift_left3A_57 = vector.broadcast %scan3A_5 : i32 to vector<16xi32>
      %shift_left3A_58 = arith.shli %shift_left3A_57, %shift_left3A_56 : vector<16xi32>
      tpu.vector_store_idx %arg8[%add3A_49, %shift_right_arithmetic3A_51], %shift_left3A_58 {add = true} : memref<256x194xi32, #tpu.memory_space<vmem>>[vector<16xi32>, vector<16xi32>], vector<16xi32>,
    }
    %scan3A_10 = arith.constant 512 : i32
    "tpu.region"() ({
      %run_scoped3A = tpu.sem_alloc : memref<!tpu.dma_semaphore, #tpu.memory_space<semaphore_mem>>
      %dma_start3A = arith.constant 0 : i32
      %dma_start3A_27 = tpu.memref_slice %arg5[%mul3A_2, %dma_start3A] : memref<8192x194xi32, #tpu.memory_space<hbm>> -> memref<256x194xi32, #tpu.memory_space<hbm>>
      %dma_start3A_28 = arith.constant 0 : i32
      %dma_start3A_29 = tpu.memref_slice %arg5[%mul3A_2, %dma_start3A_28] : memref<8192x194xi32, #tpu.memory_space<hbm>> -> memref<256x194xi32, #tpu.memory_space<hbm>>
      tpu.enqueue_dma source(%arg8 : memref<256x194xi32, #tpu.memory_space<vmem>>) target(%dma_start3A_29 : memref<256x194xi32, #tpu.memory_space<hbm>>) target_semaphore(%run_scoped3A : memref<!tpu.dma_semaphore, #tpu.memory_space<semaphore_mem>>)
      %dma_wait3A = arith.constant 0 : i32
      %dma_wait3A_30 = tpu.memref_slice %arg5[%mul3A_2, %dma_wait3A] : memref<8192x194xi32, #tpu.memory_space<hbm>> -> memref<256x194xi32, #tpu.memory_space<hbm>>
      %dma_wait3A_31 = arith.constant 0 : i32
      %dma_wait3A_32 = tpu.memref_slice %arg5[%mul3A_2, %dma_wait3A_31] : memref<8192x194xi32, #tpu.memory_space<hbm>> -> memref<256x194xi32, #tpu.memory_space<hbm>>
      tpu.wait_dma2 semaphore(%run_scoped3A : memref<!tpu.dma_semaphore, #tpu.memory_space<semaphore_mem>>) src(%arg8 : memref<256x194xi32, #tpu.memory_space<vmem>>) dst(%dma_wait3A_32 : memref<256x194xi32, #tpu.memory_space<hbm>>)
      tpu.yield
    }) : () -> ()
    %scan3A_11 = arith.constant 0 : i32
    %scan3A_12 = arith.constant -1 : i32
    %scan3A_13 = arith.constant 0 : i32
    %scan3A_14 = arith.constant 512 : i32
    %scan3A_15 = arith.addi %scan3A_13, %scan3A_14 : i32
    %scan3A_16 = arith.constant 1 : i32
    scf.for %scan3A_27 = %scan3A_13 to %scan3A_15 step %scan3A_16  : i32 {
      %mul3A_28 = arith.constant 16 : i32
      %mul3A_29 = arith.muli %scan3A_27, %mul3A_28 : i32
      %get3A = arith.index_cast %mul3A_29 : i32 to index
      %get3A_30 = tpu.vector_load %arg7[%get3A] {strides = array<i32>} : memref<8192xi32, #tpu.memory_space<vmem>>, vector<16xi32>,
      %broadcast_in_dim3A = arith.constant 0 : i32
      %broadcast_in_dim3A_31 = vector.broadcast %broadcast_in_dim3A : i32 to vector<16xi32>
      %jit3A = arith.constant 2 : i32
      %div3A = arith.divsi %scan3A_27, %jit3A : i32
      %sign3A = arith.constant 0 : i32
      %sign3A_32 = arith.cmpi sgt, %scan3A_27, %sign3A : i32
      %sign3A_33 = arith.extui %sign3A_32 : i1 to i32
      %sign3A_34 = arith.constant 0 : i32
      %sign3A_35 = arith.cmpi slt, %scan3A_27, %sign3A_34 : i32
      %sign3A_36 = arith.extui %sign3A_35 : i1 to i32
      %sign3A_37 = arith.subi %sign3A_33, %sign3A_36 : i32
      %sign3A_38 = arith.constant 0 : i32
      %sign3A_39 = arith.cmpi sgt, %jit3A, %sign3A_38 : i32
      %sign3A_40 = arith.extui %sign3A_39 : i1 to i32
      %sign3A_41 = arith.constant 0 : i32
      %sign3A_42 = arith.cmpi slt, %jit3A, %sign3A_41 : i32
      %sign3A_43 = arith.extui %sign3A_42 : i1 to i32
      %sign3A_44 = arith.subi %sign3A_40, %sign3A_43 : i32
      %ne3A = arith.cmpi ne, %sign3A_37, %sign3A_44 : i32
      %rem3A = arith.remsi %scan3A_27, %jit3A : i32
      %ne3A_45 = arith.constant 0 : i32
      %ne3A_46 = arith.cmpi ne, %rem3A, %ne3A_45 : i32
      %and3A = arith.andi %ne3A, %ne3A_46 : i1
      %sub3A = arith.constant 1 : i32
      %sub3A_47 = arith.subi %div3A, %sub3A : i32
      %select_n3A = arith.select %and3A, %sub3A_47, %div3A : i32
      %add3A_48 = vector.broadcast %select_n3A : i32 to vector<16xi32>
      %add3A_49 = arith.addi %broadcast_in_dim3A_31, %add3A_48 : vector<16xi32>
      %shift_right_arithmetic3A = arith.constant 2 : i32
      %shift_right_arithmetic3A_50 = vector.broadcast %shift_right_arithmetic3A : i32 to vector<16xi32>
      %shift_right_arithmetic3A_51 = arith.shrsi %get3A_30, %shift_right_arithmetic3A_50 : vector<16xi32>
      %and3A_52 = arith.constant 3 : i32
      %and3A_53 = vector.broadcast %and3A_52 : i32 to vector<16xi32>
      %and3A_54 = arith.andi %get3A_30, %and3A_53 : vector<16xi32>
      %shift_left3A = arith.constant 3 : i32
      %shift_left3A_55 = vector.broadcast %shift_left3A : i32 to vector<16xi32>
      %shift_left3A_56 = arith.shli %and3A_54, %shift_left3A_55 : vector<16xi32>
      %shift_left3A_57 = vector.broadcast %scan3A_12 : i32 to vector<16xi32>
      %shift_left3A_58 = arith.shli %shift_left3A_57, %shift_left3A_56 : vector<16xi32>
      tpu.vector_store_idx %arg8[%add3A_49, %shift_right_arithmetic3A_51], %shift_left3A_58 {add = true} : memref<256x194xi32, #tpu.memory_space<vmem>>[vector<16xi32>, vector<16xi32>], vector<16xi32>,
    }
    %scan3A_17 = arith.constant 512 : i32
    %mul3A_18 = arith.constant 32 : i32
    %mul3A_19 = arith.muli %mul3A_2, %mul3A_18 : i32
    "tpu.region"() ({
      %run_scoped3A = tpu.sem_alloc : memref<!tpu.dma_semaphore, #tpu.memory_space<semaphore_mem>>
      %dma_start3A = tpu.memref_slice %arg3[%mul3A_19] : memref<262144xi32, #tpu.memory_space<hbm>> -> memref<8192xi32, #tpu.memory_space<hbm>>
      %dma_start3A_27 = tpu.memref_slice %arg3[%mul3A_19] : memref<262144xi32, #tpu.memory_space<hbm>> -> memref<8192xi32, #tpu.memory_space<hbm>>
      tpu.enqueue_dma source(%dma_start3A_27 : memref<8192xi32, #tpu.memory_space<hbm>>) target(%arg7 : memref<8192xi32, #tpu.memory_space<vmem>>) target_semaphore(%run_scoped3A : memref<!tpu.dma_semaphore, #tpu.memory_space<semaphore_mem>>)
      %dma_wait3A = tpu.memref_slice %arg3[%mul3A_19] : memref<262144xi32, #tpu.memory_space<hbm>> -> memref<8192xi32, #tpu.memory_space<hbm>>
      %dma_wait3A_28 = tpu.memref_slice %arg3[%mul3A_19] : memref<262144xi32, #tpu.memory_space<hbm>> -> memref<8192xi32, #tpu.memory_space<hbm>>
      tpu.wait_dma2 semaphore(%run_scoped3A : memref<!tpu.dma_semaphore, #tpu.memory_space<semaphore_mem>>) src(%dma_wait3A_28 : memref<8192xi32, #tpu.memory_space<hbm>>) dst(%arg7 : memref<8192xi32, #tpu.memory_space<vmem>>)
      tpu.yield
    }) : () -> ()
    %scan3A_20 = arith.constant 0 : i32
    %scan3A_21 = arith.constant 1 : i32
    %scan3A_22 = arith.constant 0 : i32
    %scan3A_23 = arith.constant 512 : i32
    %scan3A_24 = arith.addi %scan3A_22, %scan3A_23 : i32
    %scan3A_25 = arith.constant 1 : i32
    scf.for %scan3A_27 = %scan3A_22 to %scan3A_24 step %scan3A_25  : i32 {
      %mul3A_28 = arith.constant 16 : i32
      %mul3A_29 = arith.muli %scan3A_27, %mul3A_28 : i32
      %get3A = arith.index_cast %mul3A_29 : i32 to index
      %get3A_30 = tpu.vector_load %arg7[%get3A] {strides = array<i32>} : memref<8192xi32, #tpu.memory_space<vmem>>, vector<16xi32>,
      %broadcast_in_dim3A = arith.constant 0 : i32
      %broadcast_in_dim3A_31 = vector.broadcast %broadcast_in_dim3A : i32 to vector<16xi32>
      %jit3A = arith.constant 2 : i32
      %div3A = arith.divsi %scan3A_27, %jit3A : i32
      %sign3A = arith.constant 0 : i32
      %sign3A_32 = arith.cmpi sgt, %scan3A_27, %sign3A : i32
      %sign3A_33 = arith.extui %sign3A_32 : i1 to i32
      %sign3A_34 = arith.constant 0 : i32
      %sign3A_35 = arith.cmpi slt, %scan3A_27, %sign3A_34 : i32
      %sign3A_36 = arith.extui %sign3A_35 : i1 to i32
      %sign3A_37 = arith.subi %sign3A_33, %sign3A_36 : i32
      %sign3A_38 = arith.constant 0 : i32
      %sign3A_39 = arith.cmpi sgt, %jit3A, %sign3A_38 : i32
      %sign3A_40 = arith.extui %sign3A_39 : i1 to i32
      %sign3A_41 = arith.constant 0 : i32
      %sign3A_42 = arith.cmpi slt, %jit3A, %sign3A_41 : i32
      %sign3A_43 = arith.extui %sign3A_42 : i1 to i32
      %sign3A_44 = arith.subi %sign3A_40, %sign3A_43 : i32
      %ne3A = arith.cmpi ne, %sign3A_37, %sign3A_44 : i32
      %rem3A = arith.remsi %scan3A_27, %jit3A : i32
      %ne3A_45 = arith.constant 0 : i32
      %ne3A_46 = arith.cmpi ne, %rem3A, %ne3A_45 : i32
      %and3A = arith.andi %ne3A, %ne3A_46 : i1
      %sub3A = arith.constant 1 : i32
      %sub3A_47 = arith.subi %div3A, %sub3A : i32
      %select_n3A = arith.select %and3A, %sub3A_47, %div3A : i32
      %add3A_48 = vector.broadcast %select_n3A : i32 to vector<16xi32>
      %add3A_49 = arith.addi %broadcast_in_dim3A_31, %add3A_48 : vector<16xi32>
      %shift_right_arithmetic3A = arith.constant 2 : i32
      %shift_right_arithmetic3A_50 = vector.broadcast %shift_right_arithmetic3A : i32 to vector<16xi32>
      %shift_right_arithmetic3A_51 = arith.shrsi %get3A_30, %shift_right_arithmetic3A_50 : vector<16xi32>
      %and3A_52 = arith.constant 3 : i32
      %and3A_53 = vector.broadcast %and3A_52 : i32 to vector<16xi32>
      %and3A_54 = arith.andi %get3A_30, %and3A_53 : vector<16xi32>
      %shift_left3A = arith.constant 3 : i32
      %shift_left3A_55 = vector.broadcast %shift_left3A : i32 to vector<16xi32>
      %shift_left3A_56 = arith.shli %and3A_54, %shift_left3A_55 : vector<16xi32>
      %shift_left3A_57 = vector.broadcast %scan3A_21 : i32 to vector<16xi32>
      %shift_left3A_58 = arith.shli %shift_left3A_57, %shift_left3A_56 : vector<16xi32>
      tpu.vector_store_idx %arg8[%add3A_49, %shift_right_arithmetic3A_51], %shift_left3A_58 {add = true} : memref<256x194xi32, #tpu.memory_space<vmem>>[vector<16xi32>, vector<16xi32>], vector<16xi32>,
    }
    %scan3A_26 = arith.constant 512 : i32
    "tpu.region"() ({
      %run_scoped3A = tpu.sem_alloc : memref<!tpu.dma_semaphore, #tpu.memory_space<semaphore_mem>>
      %dma_start3A = arith.constant 0 : i32
      %dma_start3A_27 = tpu.memref_slice %arg6[%mul3A_2, %dma_start3A] : memref<8192x194xi32, #tpu.memory_space<hbm>> -> memref<256x194xi32, #tpu.memory_space<hbm>>
      %dma_start3A_28 = arith.constant 0 : i32
      %dma_start3A_29 = tpu.memref_slice %arg6[%mul3A_2, %dma_start3A_28] : memref<8192x194xi32, #tpu.memory_space<hbm>> -> memref<256x194xi32, #tpu.memory_space<hbm>>
      tpu.enqueue_dma source(%arg8 : memref<256x194xi32, #tpu.memory_space<vmem>>) target(%dma_start3A_29 : memref<256x194xi32, #tpu.memory_space<hbm>>) target_semaphore(%run_scoped3A : memref<!tpu.dma_semaphore, #tpu.memory_space<semaphore_mem>>)
      %dma_wait3A = arith.constant 0 : i32
      %dma_wait3A_30 = tpu.memref_slice %arg6[%mul3A_2, %dma_wait3A] : memref<8192x194xi32, #tpu.memory_space<hbm>> -> memref<256x194xi32, #tpu.memory_space<hbm>>
      %dma_wait3A_31 = arith.constant 0 : i32
      %dma_wait3A_32 = tpu.memref_slice %arg6[%mul3A_2, %dma_wait3A_31] : memref<8192x194xi32, #tpu.memory_space<hbm>> -> memref<256x194xi32, #tpu.memory_space<hbm>>
      tpu.wait_dma2 semaphore(%run_scoped3A : memref<!tpu.dma_semaphore, #tpu.memory_space<semaphore_mem>>) src(%arg8 : memref<256x194xi32, #tpu.memory_space<vmem>>) dst(%dma_wait3A_32 : memref<256x194xi32, #tpu.memory_space<hbm>>)
      tpu.yield
    }) : () -> ()
    return
  }
}

module attributes {stable_mosaic.version = 14 : i64} {
  func.func @_dense_block(%arg0: i32, %arg1: memref<1024x194xi32, #tpu.memory_space<vmem>>, %arg2: memref<1024x194xi32, #tpu.memory_space<vmem>>, %arg3: memref<1024x32xi32, #tpu.memory_space<vmem>>, %arg4: memref<194x1024xbf16, #tpu.memory_space<vmem>>, %arg5: memref<194x1024xbf16, #tpu.memory_space<vmem>>, %arg6: memref<194x1024xbf16, #tpu.memory_space<vmem>>, %arg7: memref<194x1024xbf16, #tpu.memory_space<vmem>>, %arg8: memref<1x1024xf32, #tpu.memory_space<vmem>>, %arg9: memref<1024x8xbf16, #tpu.memory_space<vmem>>, %arg10: memref<1024x8xbf16, #tpu.memory_space<vmem>>, %arg11: memref<1x8xf32, #tpu.memory_space<vmem>>, %arg12: memref<1024x1xf32, #tpu.memory_space<vmem>>) attributes {dimension_semantics = [#tpu.dimension_semantics<arbitrary>], iteration_bounds = array<i64: 8>, scalar_prefetch = 0 : i64, scratch_operands = 0 : i64, tpu.core_type = #tpu.core_type<tc>, window_params = [{transform_indices = @transform_0, window_bounds = array<i64: 1024, 194>}, {transform_indices = @transform_1, window_bounds = array<i64: 1024, 194>}, {transform_indices = @transform_2, window_bounds = array<i64: 1024, 32>}, {pipeline_mode = #tpu.pipeline_mode<synchronous>, transform_indices = @transform_3, window_bounds = array<i64: 194, 1024>}, {pipeline_mode = #tpu.pipeline_mode<synchronous>, transform_indices = @transform_4, window_bounds = array<i64: 194, 1024>}, {pipeline_mode = #tpu.pipeline_mode<synchronous>, transform_indices = @transform_5, window_bounds = array<i64: 194, 1024>}, {pipeline_mode = #tpu.pipeline_mode<synchronous>, transform_indices = @transform_6, window_bounds = array<i64: 194, 1024>}, {pipeline_mode = #tpu.pipeline_mode<synchronous>, transform_indices = @transform_7, window_bounds = array<i64: 1, 1024>}, {pipeline_mode = #tpu.pipeline_mode<synchronous>, transform_indices = @transform_8, window_bounds = array<i64: 1024, 8>}, {pipeline_mode = #tpu.pipeline_mode<synchronous>, transform_indices = @transform_9, window_bounds = array<i64: 1024, 8>}, {pipeline_mode = #tpu.pipeline_mode<synchronous>, transform_indices = @transform_10, window_bounds = array<i64: 1, 8>}, {transform_indices = @transform_11, window_bounds = array<i64: 1024, 1>}]} {
    %get3A = arith.constant 0 : index
    %get3A_0 = arith.constant 0 : index
    %get3A_1 = vector.load %arg1[%get3A, %get3A_0] : memref<1024x194xi32, #tpu.memory_space<vmem>>, vector<1024x194xi32>
    %get3A_2 = arith.constant 0 : index
    %get3A_3 = arith.constant 0 : index
    %get3A_4 = vector.load %arg8[%get3A_2, %get3A_3] : memref<1x1024xf32, #tpu.memory_space<vmem>>, vector<1x1024xf32>
    %shift_right_arithmetic3A = arith.constant 0 : i32
    %shift_right_arithmetic3A_5 = vector.broadcast %shift_right_arithmetic3A : i32 to vector<1024x194xi32>
    %shift_right_arithmetic3A_6 = arith.shrsi %get3A_1, %shift_right_arithmetic3A_5 : vector<1024x194xi32>
    %and3A = arith.constant 255 : i32
    %and3A_7 = vector.broadcast %and3A : i32 to vector<1024x194xi32>
    %and3A_8 = arith.andi %shift_right_arithmetic3A_6, %and3A_7 : vector<1024x194xi32>
    %convert_element_type3A = arith.sitofp %and3A_8 : vector<1024x194xi32> to vector<1024x194xbf16>
    %get3A_9 = arith.constant 0 : index
    %get3A_10 = arith.constant 0 : index
    %get3A_11 = vector.load %arg4[%get3A_9, %get3A_10] : memref<194x1024xbf16, #tpu.memory_space<vmem>>, vector<194x1024xbf16>
    %dot_general3A = arith.constant dense<0.000000e+00> : vector<1024x1024xf32>
    %dot_general3A_12 = tpu.matmul %convert_element_type3A, %get3A_11, %dot_general3A {dimension_numbers = #tpu.dot_dimension_numbers<[1], [0], [0], [1], [0, 0, 1, 1], [], []>, transpose_lhs_hint = false} : vector<1024x194xbf16>, vector<194x1024xbf16>, vector<1024x1024xf32> -> vector<1024x1024xf32>
    %add3A = vector.broadcast %get3A_4 : vector<1x1024xf32> to vector<1024x1024xf32>
    %add3A_13 = arith.addf %add3A, %dot_general3A_12 : vector<1024x1024xf32>
    %shift_right_arithmetic3A_14 = arith.constant 8 : i32
    %shift_right_arithmetic3A_15 = vector.broadcast %shift_right_arithmetic3A_14 : i32 to vector<1024x194xi32>
    %shift_right_arithmetic3A_16 = arith.shrsi %get3A_1, %shift_right_arithmetic3A_15 : vector<1024x194xi32>
    %and3A_17 = arith.constant 255 : i32
    %and3A_18 = vector.broadcast %and3A_17 : i32 to vector<1024x194xi32>
    %and3A_19 = arith.andi %shift_right_arithmetic3A_16, %and3A_18 : vector<1024x194xi32>
    %convert_element_type3A_20 = arith.sitofp %and3A_19 : vector<1024x194xi32> to vector<1024x194xbf16>
    %get3A_21 = arith.constant 0 : index
    %get3A_22 = arith.constant 0 : index
    %get3A_23 = vector.load %arg5[%get3A_21, %get3A_22] : memref<194x1024xbf16, #tpu.memory_space<vmem>>, vector<194x1024xbf16>
    %dot_general3A_24 = arith.constant dense<0.000000e+00> : vector<1024x1024xf32>
    %dot_general3A_25 = tpu.matmul %convert_element_type3A_20, %get3A_23, %dot_general3A_24 {dimension_numbers = #tpu.dot_dimension_numbers<[1], [0], [0], [1], [0, 0, 1, 1], [], []>, transpose_lhs_hint = false} : vector<1024x194xbf16>, vector<194x1024xbf16>, vector<1024x1024xf32> -> vector<1024x1024xf32>
    %add3A_26 = arith.addf %add3A_13, %dot_general3A_25 : vector<1024x1024xf32>
    %shift_right_arithmetic3A_27 = arith.constant 16 : i32
    %shift_right_arithmetic3A_28 = vector.broadcast %shift_right_arithmetic3A_27 : i32 to vector<1024x194xi32>
    %shift_right_arithmetic3A_29 = arith.shrsi %get3A_1, %shift_right_arithmetic3A_28 : vector<1024x194xi32>
    %and3A_30 = arith.constant 255 : i32
    %and3A_31 = vector.broadcast %and3A_30 : i32 to vector<1024x194xi32>
    %and3A_32 = arith.andi %shift_right_arithmetic3A_29, %and3A_31 : vector<1024x194xi32>
    %convert_element_type3A_33 = arith.sitofp %and3A_32 : vector<1024x194xi32> to vector<1024x194xbf16>
    %get3A_34 = arith.constant 0 : index
    %get3A_35 = arith.constant 0 : index
    %get3A_36 = vector.load %arg6[%get3A_34, %get3A_35] : memref<194x1024xbf16, #tpu.memory_space<vmem>>, vector<194x1024xbf16>
    %dot_general3A_37 = arith.constant dense<0.000000e+00> : vector<1024x1024xf32>
    %dot_general3A_38 = tpu.matmul %convert_element_type3A_33, %get3A_36, %dot_general3A_37 {dimension_numbers = #tpu.dot_dimension_numbers<[1], [0], [0], [1], [0, 0, 1, 1], [], []>, transpose_lhs_hint = false} : vector<1024x194xbf16>, vector<194x1024xbf16>, vector<1024x1024xf32> -> vector<1024x1024xf32>
    %add3A_39 = arith.addf %add3A_26, %dot_general3A_38 : vector<1024x1024xf32>
    %shift_right_arithmetic3A_40 = arith.constant 24 : i32
    %shift_right_arithmetic3A_41 = vector.broadcast %shift_right_arithmetic3A_40 : i32 to vector<1024x194xi32>
    %shift_right_arithmetic3A_42 = arith.shrsi %get3A_1, %shift_right_arithmetic3A_41 : vector<1024x194xi32>
    %and3A_43 = arith.constant 255 : i32
    %and3A_44 = vector.broadcast %and3A_43 : i32 to vector<1024x194xi32>
    %and3A_45 = arith.andi %shift_right_arithmetic3A_42, %and3A_44 : vector<1024x194xi32>
    %convert_element_type3A_46 = arith.sitofp %and3A_45 : vector<1024x194xi32> to vector<1024x194xbf16>
    %get3A_47 = arith.constant 0 : index
    %get3A_48 = arith.constant 0 : index
    %get3A_49 = vector.load %arg7[%get3A_47, %get3A_48] : memref<194x1024xbf16, #tpu.memory_space<vmem>>, vector<194x1024xbf16>
    %dot_general3A_50 = arith.constant dense<0.000000e+00> : vector<1024x1024xf32>
    %dot_general3A_51 = tpu.matmul %convert_element_type3A_46, %get3A_49, %dot_general3A_50 {dimension_numbers = #tpu.dot_dimension_numbers<[1], [0], [0], [1], [0, 0, 1, 1], [], []>, transpose_lhs_hint = false} : vector<1024x194xbf16>, vector<194x1024xbf16>, vector<1024x1024xf32> -> vector<1024x1024xf32>
    %add3A_52 = arith.addf %add3A_39, %dot_general3A_51 : vector<1024x1024xf32>
    %jit3A = arith.constant 0.000000e+00 : f32
    %jit3A_53 = arith.constant 1.000000e+00 : f32
    %max3A = vector.broadcast %jit3A : f32 to vector<1024x1024xf32>
    %max3A_54 = arith.maximumf %max3A, %add3A_52 : vector<1024x1024xf32>
    %min3A = vector.broadcast %jit3A_53 : f32 to vector<1024x1024xf32>
    %min3A_55 = arith.minimumf %min3A, %max3A_54 : vector<1024x1024xf32>
    %mul3A = arith.mulf %min3A_55, %min3A_55 : vector<1024x1024xf32>
    %convert_element_type3A_56 = arith.truncf %mul3A : vector<1024x1024xf32> to vector<1024x1024xbf16>
    %get3A_57 = arith.constant 0 : index
    %get3A_58 = arith.constant 0 : index
    %get3A_59 = vector.load %arg9[%get3A_57, %get3A_58] : memref<1024x8xbf16, #tpu.memory_space<vmem>>, vector<1024x8xbf16>
    %dot_general3A_60 = arith.constant dense<0.000000e+00> : vector<1024x8xf32>
    %dot_general3A_61 = tpu.matmul %convert_element_type3A_56, %get3A_59, %dot_general3A_60 {dimension_numbers = #tpu.dot_dimension_numbers<[1], [0], [0], [1], [0, 0, 1, 1], [], []>, transpose_lhs_hint = false} : vector<1024x1024xbf16>, vector<1024x8xbf16>, vector<1024x8xf32> -> vector<1024x8xf32>
    %get3A_62 = arith.constant 0 : index
    %get3A_63 = arith.constant 0 : index
    %get3A_64 = vector.load %arg2[%get3A_62, %get3A_63] : memref<1024x194xi32, #tpu.memory_space<vmem>>, vector<1024x194xi32>
    %get3A_65 = arith.constant 0 : index
    %get3A_66 = arith.constant 0 : index
    %get3A_67 = vector.load %arg8[%get3A_65, %get3A_66] : memref<1x1024xf32, #tpu.memory_space<vmem>>, vector<1x1024xf32>
    %shift_right_arithmetic3A_68 = arith.constant 0 : i32
    %shift_right_arithmetic3A_69 = vector.broadcast %shift_right_arithmetic3A_68 : i32 to vector<1024x194xi32>
    %shift_right_arithmetic3A_70 = arith.shrsi %get3A_64, %shift_right_arithmetic3A_69 : vector<1024x194xi32>
    %and3A_71 = arith.constant 255 : i32
    %and3A_72 = vector.broadcast %and3A_71 : i32 to vector<1024x194xi32>
    %and3A_73 = arith.andi %shift_right_arithmetic3A_70, %and3A_72 : vector<1024x194xi32>
    %convert_element_type3A_74 = arith.sitofp %and3A_73 : vector<1024x194xi32> to vector<1024x194xbf16>
    %get3A_75 = arith.constant 0 : index
    %get3A_76 = arith.constant 0 : index
    %get3A_77 = vector.load %arg4[%get3A_75, %get3A_76] : memref<194x1024xbf16, #tpu.memory_space<vmem>>, vector<194x1024xbf16>
    %dot_general3A_78 = arith.constant dense<0.000000e+00> : vector<1024x1024xf32>
    %dot_general3A_79 = tpu.matmul %convert_element_type3A_74, %get3A_77, %dot_general3A_78 {dimension_numbers = #tpu.dot_dimension_numbers<[1], [0], [0], [1], [0, 0, 1, 1], [], []>, transpose_lhs_hint = false} : vector<1024x194xbf16>, vector<194x1024xbf16>, vector<1024x1024xf32> -> vector<1024x1024xf32>
    %add3A_80 = vector.broadcast %get3A_67 : vector<1x1024xf32> to vector<1024x1024xf32>
    %add3A_81 = arith.addf %add3A_80, %dot_general3A_79 : vector<1024x1024xf32>
    %shift_right_arithmetic3A_82 = arith.constant 8 : i32
    %shift_right_arithmetic3A_83 = vector.broadcast %shift_right_arithmetic3A_82 : i32 to vector<1024x194xi32>
    %shift_right_arithmetic3A_84 = arith.shrsi %get3A_64, %shift_right_arithmetic3A_83 : vector<1024x194xi32>
    %and3A_85 = arith.constant 255 : i32
    %and3A_86 = vector.broadcast %and3A_85 : i32 to vector<1024x194xi32>
    %and3A_87 = arith.andi %shift_right_arithmetic3A_84, %and3A_86 : vector<1024x194xi32>
    %convert_element_type3A_88 = arith.sitofp %and3A_87 : vector<1024x194xi32> to vector<1024x194xbf16>
    %get3A_89 = arith.constant 0 : index
    %get3A_90 = arith.constant 0 : index
    %get3A_91 = vector.load %arg5[%get3A_89, %get3A_90] : memref<194x1024xbf16, #tpu.memory_space<vmem>>, vector<194x1024xbf16>
    %dot_general3A_92 = arith.constant dense<0.000000e+00> : vector<1024x1024xf32>
    %dot_general3A_93 = tpu.matmul %convert_element_type3A_88, %get3A_91, %dot_general3A_92 {dimension_numbers = #tpu.dot_dimension_numbers<[1], [0], [0], [1], [0, 0, 1, 1], [], []>, transpose_lhs_hint = false} : vector<1024x194xbf16>, vector<194x1024xbf16>, vector<1024x1024xf32> -> vector<1024x1024xf32>
    %add3A_94 = arith.addf %add3A_81, %dot_general3A_93 : vector<1024x1024xf32>
    %shift_right_arithmetic3A_95 = arith.constant 16 : i32
    %shift_right_arithmetic3A_96 = vector.broadcast %shift_right_arithmetic3A_95 : i32 to vector<1024x194xi32>
    %shift_right_arithmetic3A_97 = arith.shrsi %get3A_64, %shift_right_arithmetic3A_96 : vector<1024x194xi32>
    %and3A_98 = arith.constant 255 : i32
    %and3A_99 = vector.broadcast %and3A_98 : i32 to vector<1024x194xi32>
    %and3A_100 = arith.andi %shift_right_arithmetic3A_97, %and3A_99 : vector<1024x194xi32>
    %convert_element_type3A_101 = arith.sitofp %and3A_100 : vector<1024x194xi32> to vector<1024x194xbf16>
    %get3A_102 = arith.constant 0 : index
    %get3A_103 = arith.constant 0 : index
    %get3A_104 = vector.load %arg6[%get3A_102, %get3A_103] : memref<194x1024xbf16, #tpu.memory_space<vmem>>, vector<194x1024xbf16>
    %dot_general3A_105 = arith.constant dense<0.000000e+00> : vector<1024x1024xf32>
    %dot_general3A_106 = tpu.matmul %convert_element_type3A_101, %get3A_104, %dot_general3A_105 {dimension_numbers = #tpu.dot_dimension_numbers<[1], [0], [0], [1], [0, 0, 1, 1], [], []>, transpose_lhs_hint = false} : vector<1024x194xbf16>, vector<194x1024xbf16>, vector<1024x1024xf32> -> vector<1024x1024xf32>
    %add3A_107 = arith.addf %add3A_94, %dot_general3A_106 : vector<1024x1024xf32>
    %shift_right_arithmetic3A_108 = arith.constant 24 : i32
    %shift_right_arithmetic3A_109 = vector.broadcast %shift_right_arithmetic3A_108 : i32 to vector<1024x194xi32>
    %shift_right_arithmetic3A_110 = arith.shrsi %get3A_64, %shift_right_arithmetic3A_109 : vector<1024x194xi32>
    %and3A_111 = arith.constant 255 : i32
    %and3A_112 = vector.broadcast %and3A_111 : i32 to vector<1024x194xi32>
    %and3A_113 = arith.andi %shift_right_arithmetic3A_110, %and3A_112 : vector<1024x194xi32>
    %convert_element_type3A_114 = arith.sitofp %and3A_113 : vector<1024x194xi32> to vector<1024x194xbf16>
    %get3A_115 = arith.constant 0 : index
    %get3A_116 = arith.constant 0 : index
    %get3A_117 = vector.load %arg7[%get3A_115, %get3A_116] : memref<194x1024xbf16, #tpu.memory_space<vmem>>, vector<194x1024xbf16>
    %dot_general3A_118 = arith.constant dense<0.000000e+00> : vector<1024x1024xf32>
    %dot_general3A_119 = tpu.matmul %convert_element_type3A_114, %get3A_117, %dot_general3A_118 {dimension_numbers = #tpu.dot_dimension_numbers<[1], [0], [0], [1], [0, 0, 1, 1], [], []>, transpose_lhs_hint = false} : vector<1024x194xbf16>, vector<194x1024xbf16>, vector<1024x1024xf32> -> vector<1024x1024xf32>
    %add3A_120 = arith.addf %add3A_107, %dot_general3A_119 : vector<1024x1024xf32>
    %jit3A_121 = arith.constant 0.000000e+00 : f32
    %jit3A_122 = arith.constant 1.000000e+00 : f32
    %max3A_123 = vector.broadcast %jit3A_121 : f32 to vector<1024x1024xf32>
    %max3A_124 = arith.maximumf %max3A_123, %add3A_120 : vector<1024x1024xf32>
    %min3A_125 = vector.broadcast %jit3A_122 : f32 to vector<1024x1024xf32>
    %min3A_126 = arith.minimumf %min3A_125, %max3A_124 : vector<1024x1024xf32>
    %mul3A_127 = arith.mulf %min3A_126, %min3A_126 : vector<1024x1024xf32>
    %convert_element_type3A_128 = arith.truncf %mul3A_127 : vector<1024x1024xf32> to vector<1024x1024xbf16>
    %get3A_129 = arith.constant 0 : index
    %get3A_130 = arith.constant 0 : index
    %get3A_131 = vector.load %arg10[%get3A_129, %get3A_130] : memref<1024x8xbf16, #tpu.memory_space<vmem>>, vector<1024x8xbf16>
    %dot_general3A_132 = arith.constant dense<0.000000e+00> : vector<1024x8xf32>
    %dot_general3A_133 = tpu.matmul %convert_element_type3A_128, %get3A_131, %dot_general3A_132 {dimension_numbers = #tpu.dot_dimension_numbers<[1], [0], [0], [1], [0, 0, 1, 1], [], []>, transpose_lhs_hint = false} : vector<1024x1024xbf16>, vector<1024x8xbf16>, vector<1024x8xf32> -> vector<1024x8xf32>
    %add3A_134 = arith.addf %dot_general3A_61, %dot_general3A_133 : vector<1024x8xf32>
    %get3A_135 = arith.constant 0 : index
    %get3A_136 = arith.constant 0 : index
    %get3A_137 = vector.load %arg11[%get3A_135, %get3A_136] : memref<1x8xf32, #tpu.memory_space<vmem>>, vector<1x8xf32>
    %add3A_138 = vector.broadcast %get3A_137 : vector<1x8xf32> to vector<1024x8xf32>
    %add3A_139 = arith.addf %add3A_134, %add3A_138 : vector<1024x8xf32>
    %get3A_140 = arith.constant 0 : index
    %get3A_141 = arith.constant 0 : index
    %get3A_142 = vector.load %arg3[%get3A_140, %get3A_141] : memref<1024x32xi32, #tpu.memory_space<vmem>>, vector<1024x32xi32>
    %ne3A = arith.constant 768 : i32
    %ne3A_143 = vector.broadcast %ne3A : i32 to vector<1024x32xi32>
    %ne3A_144 = arith.cmpi ne, %get3A_142, %ne3A_143 : vector<1024x32xi32>
    %convert_element_type3A_145 = arith.extui %ne3A_144 : vector<1024x32xi1> to vector<1024x32xi32>
    %reduce_sum3A = arith.constant dense<0> : vector<1024xi32>
    %reduce_sum3A_146 = vector.multi_reduction <add>, %convert_element_type3A_145, %reduce_sum3A [1] : vector<1024x32xi32> to vector<1024xi32>
    %broadcast_in_dim3A = vector.shape_cast %reduce_sum3A_146 : vector<1024xi32> to vector<1024x1xi32>
    %add3A_147 = arith.constant 30 : i32
    %add3A_148 = vector.broadcast %add3A_147 : i32 to vector<1024x1xi32>
    %add3A_149 = arith.addi %broadcast_in_dim3A, %add3A_148 : vector<1024x1xi32>
    %jit3A_150 = arith.constant 4 : i32
    %div3A = vector.broadcast %jit3A_150 : i32 to vector<1024x1xi32>
    %div3A_151 = arith.divsi %add3A_149, %div3A : vector<1024x1xi32>
    %sign3A = arith.constant 0 : i32
    %sign3A_152 = vector.broadcast %sign3A : i32 to vector<1024x1xi32>
    %sign3A_153 = arith.cmpi sgt, %add3A_149, %sign3A_152 : vector<1024x1xi32>
    %sign3A_154 = arith.extui %sign3A_153 : vector<1024x1xi1> to vector<1024x1xi32>
    %sign3A_155 = arith.constant 0 : i32
    %sign3A_156 = vector.broadcast %sign3A_155 : i32 to vector<1024x1xi32>
    %sign3A_157 = arith.cmpi slt, %add3A_149, %sign3A_156 : vector<1024x1xi32>
    %sign3A_158 = arith.extui %sign3A_157 : vector<1024x1xi1> to vector<1024x1xi32>
    %sign3A_159 = arith.subi %sign3A_154, %sign3A_158 : vector<1024x1xi32>
    %sign3A_160 = arith.constant 0 : i32
    %sign3A_161 = arith.cmpi sgt, %jit3A_150, %sign3A_160 : i32
    %sign3A_162 = arith.extui %sign3A_161 : i1 to i32
    %sign3A_163 = arith.constant 0 : i32
    %sign3A_164 = arith.cmpi slt, %jit3A_150, %sign3A_163 : i32
    %sign3A_165 = arith.extui %sign3A_164 : i1 to i32
    %sign3A_166 = arith.subi %sign3A_162, %sign3A_165 : i32
    %ne3A_167 = vector.broadcast %sign3A_166 : i32 to vector<1024x1xi32>
    %ne3A_168 = arith.cmpi ne, %sign3A_159, %ne3A_167 : vector<1024x1xi32>
    %rem3A = vector.broadcast %jit3A_150 : i32 to vector<1024x1xi32>
    %rem3A_169 = arith.remsi %add3A_149, %rem3A : vector<1024x1xi32>
    %ne3A_170 = arith.constant 0 : i32
    %ne3A_171 = vector.broadcast %ne3A_170 : i32 to vector<1024x1xi32>
    %ne3A_172 = arith.cmpi ne, %rem3A_169, %ne3A_171 : vector<1024x1xi32>
    %and3A_173 = arith.andi %ne3A_168, %ne3A_172 : vector<1024x1xi1>
    %sub3A = arith.constant 1 : i32
    %sub3A_174 = vector.broadcast %sub3A : i32 to vector<1024x1xi32>
    %sub3A_175 = arith.subi %div3A_151, %sub3A_174 : vector<1024x1xi32>
    %select_n3A = arith.select %and3A_173, %sub3A_175, %div3A_151 : vector<1024x1xi1>, vector<1024x1xi32>
    %jit3A_176 = arith.constant 8 : i32
    %eq3A = arith.constant 0 : i32
    %eq3A_177 = arith.cmpi eq, %jit3A_176, %eq3A : i32
    %jit3A_178 = arith.constant 1 : i32
    %select_n3A_179 = arith.select %eq3A_177, %jit3A_178, %jit3A_176 : i32
    %rem3A_180 = vector.broadcast %select_n3A_179 : i32 to vector<1024x1xi32>
    %rem3A_181 = arith.remsi %select_n3A, %rem3A_180 : vector<1024x1xi32>
    %ne3A_182 = arith.constant 0 : i32
    %ne3A_183 = vector.broadcast %ne3A_182 : i32 to vector<1024x1xi32>
    %ne3A_184 = arith.cmpi ne, %rem3A_181, %ne3A_183 : vector<1024x1xi32>
    %lt3A = arith.constant 0 : i32
    %lt3A_185 = vector.broadcast %lt3A : i32 to vector<1024x1xi32>
    %lt3A_186 = arith.cmpi slt, %rem3A_181, %lt3A_185 : vector<1024x1xi32>
    %lt3A_187 = arith.constant 0 : i32
    %lt3A_188 = arith.cmpi slt, %select_n3A_179, %lt3A_187 : i32
    %ne3A_189 = vector.broadcast %lt3A_188 : i1 to vector<1024x1xi1>
    %ne3A_190 = vector.broadcast %ne3A_189 : vector<1024x1xi1> to vector<1024x1xi1>
    %ne3A_191 = arith.xori %lt3A_186, %ne3A_190 : vector<1024x1xi1>
    %and3A_192 = arith.andi %ne3A_191, %ne3A_184 : vector<1024x1xi1>
    %add3A_193 = vector.broadcast %select_n3A_179 : i32 to vector<1024x1xi32>
    %add3A_194 = arith.addi %rem3A_181, %add3A_193 : vector<1024x1xi32>
    %select_n3A_195 = arith.select %and3A_192, %add3A_194, %rem3A_181 : vector<1024x1xi1>, vector<1024x1xi32>
    %iota3A = tpu.iota {dimensions = array<i32: 1>} : vector<1024x8xi32>
    %eq3A_196 = vector.broadcast %select_n3A_195 : vector<1024x1xi32> to vector<1024x8xi32>
    %eq3A_197 = arith.cmpi eq, %eq3A_196, %iota3A : vector<1024x8xi32>
    %convert_element_type3A_198 = arith.extui %eq3A_197 : vector<1024x8xi1> to vector<1024x8xi32>
    %convert_element_type3A_199 = arith.sitofp %convert_element_type3A_198 : vector<1024x8xi32> to vector<1024x8xf32>
    %mul3A_200 = arith.mulf %add3A_139, %convert_element_type3A_199 : vector<1024x8xf32>
    %reduce_sum3A_201 = arith.constant dense<0.000000e+00> : vector<1024xf32>
    %reduce_sum3A_202 = vector.multi_reduction <add>, %mul3A_200, %reduce_sum3A_201 [1] : vector<1024x8xf32> to vector<1024xf32>
    %broadcast_in_dim3A_203 = vector.shape_cast %reduce_sum3A_202 : vector<1024xf32> to vector<1024x1xf32>
    %swap3A = arith.constant 0 : index
    %swap3A_204 = arith.constant 0 : index
    %swap3A_205 = vector.load %arg12[%swap3A, %swap3A_204] : memref<1024x1xf32, #tpu.memory_space<vmem>>, vector<1024x1xf32>
    tpu.vector_store %arg12[%swap3A, %swap3A_204], %broadcast_in_dim3A_203 {strides = array<i32>} : memref<1024x1xf32, #tpu.memory_space<vmem>>, vector<1024x1xf32>,
    return
  }
  func.func @transform_0(%arg0: i32) -> (i32, i32) {
    %c0_i32 = arith.constant 0 : i32
    %c0_i32_0 = arith.constant 0 : i32
    return %arg0, %c0_i32 : i32, i32
  }
  func.func @transform_1(%arg0: i32) -> (i32, i32) {
    %c0_i32 = arith.constant 0 : i32
    %c0_i32_0 = arith.constant 0 : i32
    return %arg0, %c0_i32 : i32, i32
  }
  func.func @transform_2(%arg0: i32) -> (i32, i32) {
    %c0_i32 = arith.constant 0 : i32
    %c0_i32_0 = arith.constant 0 : i32
    return %arg0, %c0_i32 : i32, i32
  }
  func.func @transform_3(%arg0: i32) -> (i32, i32) {
    %c0_i32 = arith.constant 0 : i32
    %c0_i32_0 = arith.constant 0 : i32
    %c0_i32_1 = arith.constant 0 : i32
    return %c0_i32, %c0_i32_0 : i32, i32
  }
  func.func @transform_4(%arg0: i32) -> (i32, i32) {
    %c0_i32 = arith.constant 0 : i32
    %c0_i32_0 = arith.constant 0 : i32
    %c0_i32_1 = arith.constant 0 : i32
    return %c0_i32, %c0_i32_0 : i32, i32
  }
  func.func @transform_5(%arg0: i32) -> (i32, i32) {
    %c0_i32 = arith.constant 0 : i32
    %c0_i32_0 = arith.constant 0 : i32
    %c0_i32_1 = arith.constant 0 : i32
    return %c0_i32, %c0_i32_0 : i32, i32
  }
  func.func @transform_6(%arg0: i32) -> (i32, i32) {
    %c0_i32 = arith.constant 0 : i32
    %c0_i32_0 = arith.constant 0 : i32
    %c0_i32_1 = arith.constant 0 : i32
    return %c0_i32, %c0_i32_0 : i32, i32
  }
  func.func @transform_7(%arg0: i32) -> (i32, i32) {
    %c0_i32 = arith.constant 0 : i32
    %c0_i32_0 = arith.constant 0 : i32
    %c0_i32_1 = arith.constant 0 : i32
    return %c0_i32, %c0_i32_0 : i32, i32
  }
  func.func @transform_8(%arg0: i32) -> (i32, i32) {
    %c0_i32 = arith.constant 0 : i32
    %c0_i32_0 = arith.constant 0 : i32
    %c0_i32_1 = arith.constant 0 : i32
    return %c0_i32, %c0_i32_0 : i32, i32
  }
  func.func @transform_9(%arg0: i32) -> (i32, i32) {
    %c0_i32 = arith.constant 0 : i32
    %c0_i32_0 = arith.constant 0 : i32
    %c0_i32_1 = arith.constant 0 : i32
    return %c0_i32, %c0_i32_0 : i32, i32
  }
  func.func @transform_10(%arg0: i32) -> (i32, i32) {
    %c0_i32 = arith.constant 0 : i32
    %c0_i32_0 = arith.constant 0 : i32
    %c0_i32_1 = arith.constant 0 : i32
    return %c0_i32, %c0_i32_0 : i32, i32
  }
  func.func @transform_11(%arg0: i32) -> (i32, i32) {
    %c0_i32 = arith.constant 0 : i32
    %c0_i32_0 = arith.constant 0 : i32
    return %arg0, %c0_i32 : i32, i32
  }
}

</mosaic_0001>

<sc_bundles>
// kernel: kernel.6.cloned.1.call-start
scs
__scs_entry_jumppad:
0x0: {  	(pc) =	sbr.rel $0x88, $3  }
0x1: {  	(tag) =	ssettag $0x0;
	lr =	simm.s32 $0x1  }
0x2: {  	[smem:$0x3F9B] =	sst lr;
	_ =	strace $0xD0000000  }
0x3: {  	_ = 	snop  }
0x4: {  	_ = 	snop  }
0x5: {  	_ = 	snop  }
0x6: {  	_ = 	snop  }
0x7: {  	_ = 	snop  }
__scs_overlays_trampoline_lowered:
0x8: {  	[smem:$0x3FAA] =	sst s0  }
0x9: {  	[smem:$0x3FAB] =	sst s1  }
0xa: {  	[smem:$0x3FAC] =	sst s2  }
0xb: {  	[smem:$0x3FAD] =	sst s3  }
0xc: {  	[smem:$0x3FAE] =	sst s4  }
0xd: {  	[smem:$0x3FAF] =	sst s5  }
0xe: {  	[smem:$0x3FB0] =	sst s6  }
0xf: {  	[smem:$0x3FB1] =	sst s7  }
0x10: {  	[smem:$0x3FB2] =	sst s8  }
0x11: {  	[smem:$0x3FB3] =	sst s9;
	s0 =	simm.s32 @!p0 $0x0  }
0x12: {  	s1 =	sld [smem:$0x3F99];
	s0 =	simm.s32 @p0 $0x1  }
0x13: {  	[smem:$0x3FB4] =	sst s0;
	s0 =	simm.s32 @!p1 $0x0  }
0x14: {  	s2 =	sld [smem:$0x3F98];
	s0 =	simm.s32 @p1 $0x1  }
0x15: {  	[smem:$0x3FB5] =	sst s0;
	s0 =	simm.s32 @!p2 $0x0  }
0x16: {  	s3 =	sld [smem:$0x3FDB];
	s0 =	simm.s32 @p2 $0x1  }
0x17: {  	s4 =	simm.s32 $0x1BF5;
	[smem:$0x3FB7] =	sst s0  }
0x18: {  	s0 =	sld [smem:$0x3F9A];
	_ =	swait.ge [sflag:s4], $0x0  }
0x19: {  	s7 =	sld [smem:$0x3F9B]  }
0x1a: {  	s8 =	sadd.s32 $0xFFFFE003, lr  }
0x1b: {  	s9 =	sadd.s32 $0xFFFFFEF7, lr;
	s5 =	simm.s32 $0xFFFFFFFF;
	p2 =	slt.u32 s8, $0xFFFFF086  }
0x1c: {  	p1 =	slt.u32 s9, $0xF7A;
	s5 =	simm.s32 @!p2 $0x0  }
0x1d: {  	s5 =	simm.s32 @p1 $0x1;
	p0 =	seq.s32 s7, s2  }
0x1e: {  	s7 =	smul.u32 @!p0 $0xF7A, s2;
	p2 =	seq.s32 @!p0 s5, $0x0  }
0x1f: {  	s9 =	smul.u32 $0xF7A, s1;
	s8 =	simm.s32 @!p0 $0x1BF5;
	p2 =	por !p2, p0  }
0x20: {  	[sflag:s8] =	ssyncset.s32 @!p0 $0xFFFFF086;
	s6 =	sadd.s32 @!p0 s3, s7;
	s7 =	simm.s32 @!p0 $0x108  }
0x21: {  	s3 =	sadd.s32 s3, s9;
	s6 =	sadd.s32 @!p0 $0x88, s6;
	s7 =	simm.s32 @p2 $0x1082  }
0x22: {  	[simem:s7], [sflag:s8] =	dma.local @!p0 [hbm:s6], $0xF7A  }
0x23: {  	s9 =	sor.u32 $0xD0000000, s2;
	s6 =	simm.s32 $0x108;
	_ =	swait.ge @!p0 [sflag:s8], $0x0  }
0x24: {  	s3 =	sadd.s32 $0x88, s3;
	s6 =	simm.s32 @!p1 $0x1082;
	[sflag:s4] =	ssyncset.s32 $0xFFFFF086  }
0x25: {  	[simem:s6], [sflag:s4] =	dma.local [hbm:s3], $0xF7A  }
0x26: {  	[smem:$0x3F9B] =	sst s1;
	(tag) =	ssettag s2;
	_ =	strace s9  }
0x27: {  	s1 =	sld [smem:$0x3FAB]  }
0x28: {  	s2 =	sld [smem:$0x3FAC]  }
0x29: {  	s4 =	sld [smem:$0x3FAE]  }
0x2a: {  	p0 =	seq.s32 s5, $0x0;
	s5 =	sld [smem:$0x3FAF]  }
0x2b: {  	s6 =	sld [smem:$0x3FB0]  }
0x2c: {  	s7 =	sld [smem:$0x3FB1]  }
0x2d: {  	s3 =	simm.s32 $0x108;
	s8 =	sld [smem:$0x3FB2]  }
0x2e: {  	s3 =	simm.s32 @!p0 $0x1082;
	s9 =	sld [smem:$0x3FB3]  }
0x2f: {  	lr =	sadd.s32 s0, s3;
	s0 =	sld [smem:$0x3FAA]  }
0x30: {  	s3 =	sld [smem:$0x3FAD]  }
0x31: {  	[smem:$0x3FB6] =	sst s10  }
0x32: {  	s10 =	sld [smem:$0x3FB4];
	_ =	sdelay $0x3  }
0x33: {  	p0 =	seq.s32 s10, $0x1;
	s10 =	sld [smem:$0x3FB6];
	_ =	sdelay $0x3  }
0x34: {  	[smem:$0x3FB6] =	sst s10  }
0x35: {  	s10 =	sld [smem:$0x3FB5];
	_ =	sdelay $0x3  }
0x36: {  	p1 =	seq.s32 s10, $0x1;
	s10 =	sld [smem:$0x3FB6];
	_ =	sdelay $0x3  }
0x37: {  	[smem:$0x3FB6] =	sst s10  }
0x38: {  	s10 =	sld [smem:$0x3FB7]  }
0x39: {  	_ = 	snop;
	(pc) =	sbr.ind lr, $3  }
0x3a: {  	_ = 	snop  }
0x3b: {  	_ = 	snop  }
0x3c: {  	p2 =	seq.s32 s10, $0x1;
	s10 =	sld [smem:$0x3FB6]  }
0x3d: {  	_ =	shalt  }
0x3e: {  	_ =	shalt  }
0x3f: {  	_ =	shalt  }
0x40: {  	_ =	shalt  }
0x41: {  	_ =	shalt  }
0x42: {  	_ =	shalt  }
0x43: {  	_ =	shalt  }
0x44: {  	_ =	shalt  }
0x45: {  	_ =	shalt  }
0x46: {  	_ =	shalt  }
0x47: {  	_ =	shalt  }
0x48: {  	_ =	shalt  }
0x49: {  	_ =	shalt  }
0x4a: {  	_ =	shalt  }
0x4b: {  	_ =	shalt  }
0x4c: {  	_ =	shalt  }
0x4d: {  	_ =	shalt  }
0x4e: {  	_ =	shalt  }
0x4f: {  	_ =	shalt  }
0x50: {  	_ =	shalt  }
0x51: {  	_ =	shalt  }
0x52: {  	_ =	shalt  }
0x53: {  	_ =	shalt  }
0x54: {  	_ =	shalt  }
0x55: {  	_ =	shalt  }
0x56: {  	_ =	shalt  }
0x57: {  	_ =	shalt  }
0x58: {  	_ =	shalt  }
0x59: {  	_ =	shalt  }
0x5a: {  	_ =	shalt  }
0x5b: {  	_ =	shalt  }
0x5c: {  	_ =	shalt  }
0x5d: {  	_ =	shalt  }
0x5e: {  	_ =	shalt  }
0x5f: {  	_ =	shalt  }
0x60: {  	_ =	shalt  }
0x61: {  	_ =	shalt  }
0x62: {  	_ =	shalt  }
0x63: {  	_ =	shalt  }
0x64: {  	_ =	shalt  }
0x65: {  	_ =	shalt  }
0x66: {  	_ =	shalt  }
0x67: {  	_ =	shalt  }
0x68: {  	_ =	shalt  }
0x69: {  	_ =	shalt  }
0x6a: {  	_ =	shalt  }
0x6b: {  	_ =	shalt  }
0x6c: {  	_ =	shalt  }
0x6d: {  	_ =	shalt  }
0x6e: {  	_ =	shalt  }
0x6f: {  	_ =	shalt  }
0x70: {  	_ =	shalt  }
0x71: {  	_ =	shalt  }
0x72: {  	_ =	shalt  }
0x73: {  	_ =	shalt  }
0x74: {  	_ =	shalt  }
0x75: {  	_ =	shalt  }
0x76: {  	_ =	shalt  }
0x77: {  	_ =	shalt  }
0x78: {  	_ =	shalt  }
0x79: {  	_ =	shalt  }
0x7a: {  	_ =	shalt  }
0x7b: {  	_ =	shalt  }
0x7c: {  	_ =	shalt  }
0x7d: {  	_ =	shalt  }
0x7e: {  	_ =	shalt  }
0x7f: {  	_ =	shalt  }
0x80: {  	_ =	shalt  }
0x81: {  	_ =	shalt  }
0x82: {  	_ =	shalt  }
0x83: {  	_ =	shalt  }
0x84: {  	_ =	shalt  }
0x85: {  	_ =	shalt  }
0x86: {  	_ =	shalt  }
0x87: {  	_ =	shalt  }
.Lfunc_end0:
.L_simem_size_0:
called_computation_lowered:
.L_overlay_start_0:
0x88: {  	s2 =	sld [smem:$0x3FD9]  }
0x89: {  	s3 =	sld [smem:$0x3FFE];
	_ =	sdelay $0x1  }
0x8a: {  	s1 =	srdreg.scid  }
0x8b: {  	s0 =	sand.u32 $0x1, s1  }
0x8c: {  	s17 =	sshll.u32 s0, $0xA;
	s2 =	sadd.s32 s3, s2  }
0x8d: {  	s2 =	sadd.s32 s2, s17  }
0x8e: {  	[smem:$0x3FC2] =	sst s2  }
0x8f: {  	_ = 	snop  }
0x90: {  	(tm) =	ssettm $0x1  }
0x91: {  	s18 =	sld [smem:$0x3FFB];
	_ =	sdelay $0x3  }
0x92: {  	_ =	strace s18  }
0x93: {  	s2 =	sld [smem:$0x3FFC];
	_ =	sdelay $0x3  }
0x94: {  	_ =	strace s2  }
0x95: {  	s2 =	sld [smem:$0x3FFD];
	_ =	sdelay $0x3  }
0x96: {  	_ =	strace s2  }
0x97: {  	_ =	strace $0x8FFFFFFF  }
0x98: {  	s19 =	sld [smem:$0x3FDB];
	_ =	sdelay $0x1  }
0x99: {  	s20 =	simm.s32 $_scs_section_size  }
0x9a: {  	s4 =	simm.s32 $_size__tile_overlayer_lowered;
	s5 =	simm.s32 $_tile_overlayer_lowered  }
0x9b: {  	s6 =	simm.s32 $0x1BFF;
	s21 =	sshll.u32 s5, $0x1;
	s3 =	sadd.s32 s20, s19  }
0x9c: {  	s22 =	simm.s32 $0x0;
	s4 =	sshll.u32 s4, $0x1;
	s5 =	sadd.s32 s21, s3  }
0x9d: {  	[timem:s22], [sflag:s6] =	dma.local [hbm:s5], s4  }
0x9e: {  	_ =	swait.ge [sflag:s6], s4  }
0x9f: {  	s4 =	ssub.s32 $0x0, s4;
	[sflag:s6] =	ssyncset.done $0x0  }
0xa0: {  	[sflag:s6] =	ssyncadd.s32 s4;
	_ =	sdelay $0x1  }
0xa1: {  	s23 =	simm.s32 $0x1B8B  }
0xa2: {  	_ =	swait.ge [sflag:s23], $0x1  }
0xa3: {  	[sflag:s23] =	ssyncset.done $0x0  }
0xa4: {  	[sflag:s23] =	ssyncadd.s32 $0xFFFFFFFF  }
0xa5: {  	s4 =	sld [smem:$0x0]  }
0xa6: {  	s5 =	sand.u32 $0xFFFFFFFE, s1  }
0xa7: {  	p0 =	sne.s32 s1, s5  }
0xa8: {  	s5 =	sshll.u32 @p0 s5, $0xE  }
0xa9: {  	s5 =	sadd.s32 @p0 $0x11B8D, s5;
	s6 =	sshll.u32 @p0 s4, $0x11  }
0xaa: {  	s5 =	sor.u32 @p0 s6, s5  }
0xab: {  	[sflag:s5] =	ssyncadd.remote.s32 @p0 $0x1;
	_ =	sdelay $0x1  }
0xac: {  	s5 =	simm.s32 @p0 $0x1B8D  }
0xad: {  	_ =	swait.eq @p0 [sflag:s5], $0x1  }
0xae: {  	[sflag:s5] =	ssyncadd.s32 @p0 $0xFFFFFFFF  }
0xaf: {  	s6 =	sshll.u32 @!p0 s1, $0xE  }
0xb0: {  	s6 =	sor.u32 @!p0 $0x4000, s6;
	s5 =	simm.s32 @!p0 $0x1B8D  }
0xb1: {  	s4 =	sshll.u32 @!p0 s4, $0x11;
	s6 =	sadd.s32 @!p0 $0x11B8D, s6;
	_ =	swait.eq @!p0 [sflag:s5], $0x1  }
0xb2: {  	s4 =	sor.u32 @!p0 s4, s6;
	[sflag:s5] =	ssyncadd.s32 @!p0 $0xFFFFFFFF  }
0xb3: {  	s25 =	simm.s32 $0x1B8E;
	s24 =	sld [smem:$0x3FFE];
	[sflag:s4] =	ssyncadd.remote.s32 @!p0 $0x1  }
0xb4: {  	s26 =	simm.s32 $execute0_lowered;
	[smem:$0x3FD2] =	sst s25  }
0xb5: {  	s5 =	sshll.u32 s26, $0x1;
	_ =	strace $0x80000049;
	[dreg:$0x1] =	wrdreg $0xFFFFFFFF  }
0xb6: {  	s28 =	simm.s32 $_size_execute0_lowered;
	s3 =	sadd.s32 s3, s5;
	[dreg:$0x0] =	wrdreg $0x0  }
0xb7: {  	s5 =	sshll.u32 s28, $0x1;
	[dreg:$0x2] =	wrdreg s3  }
0xb8: {  	[dreg:$0x3] =	wrdreg s5  }
0xb9: {  	[dreg:$0x4] =	wrdreg $0xC0  }
0xba: {  	_ =	task [dreg:s22], $0x5FFFF  }
0xbb: {  	[dreg:$0x1] =	wrdreg $0xFFFFFFFF  }
0xbc: {  	[dreg:$0x0] =	wrdreg $0x60  }
0xbd: {  	[dreg:$0x2] =	wrdreg s24  }
0xbe: {  	[dreg:$0x3] =	wrdreg $0x9  }
0xbf: {  	_ =	task.clear_ibuf [dreg:s22], $0x4FFFF;
	_ =	strace $0x90000049  }
0xc0: {  	s29 =	simm.s32 $0x9;
	_ =	strace $0x8000004B  }
0xc1: {  	_ =	swait.ge [sflag:s29], $0x1  }
0xc2: {  	[sflag:s29] =	ssyncadd.s32 $0xFFFFFFFF  }
0xc3: {  	_ =	strace $0x9000004B  }
0xc4: {  	_ =	sfence  }
0xc5: {  	s30 =	sld [smem:$0x0];
	_ =	sdelay $0x2  }
0xc6: {  	s31 =	sshll.u32 s1, $0xD;
	s1 =	sshrl.u32 s1, $0x2  }
0xc7: {  	s4 =	sand.u32 $0x4000, s31;
	s1 =	sadd.s32 s1, s30  }
0xc8: {  	s0 =	sor.u32 s4, s0;
	s1 =	sshll.u32 s1, $0x11  }
0xc9: {  	s0 =	sor.u32 s1, s0  }
0xca: {  	s0 =	sadd.s32 $0x8F2B, s0  }
0xcb: {  	[sflag:s0] =	ssyncadd.remote.s32 $0x1  }
0xcc: {  	_ =	sfence.sel $0xFFFF  }
0xcd: {  	[dreg:$0x0] =	wrdreg $0xFFFFFFFF;
	(pc) =	sbr.abs _section_cstart, $3  }
0xce: {  	[dreg:$0x1] =	wrdreg $0xFFFFFFFF  }
0xcf: {  	_ =	task.clear_ibuf [dreg:s22], $0x2FFFF;
	_ =	strace $0x9FFFFFFF  }
0xd0: {  	(tm) =	ssettm $0x7FFFFFFF  }
0xd1: {  	_ =	shalt  }
tec
execute0_lowered:
.L_overlay_start_1:
0x0: {  	(tag) =	ssettag $0x1  }
0x1: {  	s4 =	rddreg [dreg:$0x0]  }
0x2: {  	s0 =	rddreg [dreg:$0x1]  }
0x3: {  	s3 =	srdreg.scid;
	s1 =	stileid.u32;
	s2 =	simm.s32 $0x0  }
0x4: {  	s10 =	simm.s32 $0x1;
	s3 =	sand.u32 $0x1, s3;
	s5 =	sshll.u32 s1, $0x1  }
0x5: {  	s11 =	simm.s32 $0x0;
	[smem:$0x7FF] =	sst s2;
	s5 =	sor.u32 s3, s5  }
0x6: {  	_ =	strace $0x8000004A;
	s7 =	ssub.s32 $0x2, s3;
	s3 =	sadd.s32 $0x12800, s4  }
0x7: {  	s6 =	sshll.u32 s5, $0xA;
	s5 =	sshll.u32 s5, $0xD;
	s31 =	sshrl.u32 s7, $0x1  }
0x8: {  	s6 =	sadd.s32 s6, s4;
	s8 =	sadd.s32 s5, s4;
	s9 =	ssub.s32 s7, s31  }
0x9: {  	s4 =	sadd.s32 $0x94800, s6;
	s5 =	sadd.s32 $0xA4800, s8;
	s6 =	sadd.s32 $0x9C800, s6  }
0xa: {  	v0 =	vimm.s32 $0x1;
	v1 =	vimm.s32 $0xFFFFFFFF;
	s7 =	sadd.s32 $0xE4800, s8;
	s8 =	smax.u32 s9, $0x1;
	s9 =	simm.s32 $0x2000  }
.LBB2_1:
0xb: {  	[tilespmem:s9], [sflag:$0x1] =	stream.linear.gather [hbm4b:s3+s2], $0x10000, $0x38;
	[tilespmem:$0x12000] =	vst v63  }
0xc: {  	_ =	swait.ge [sflag:s10], $0x10000  }
0xd: {  	[sflag:s10] =	ssyncset.done $0x0  }
0xe: {  	[sflag:s10] =	ssyncadd.s32 $0xFFFF0000  }
0xf: {  	[tilespmem:s2], [sflag:$0x1] =	stream.linear.gather [hbm4b:s4+s2], $0x2000, $0x38;
	[tilespmem:$0x12000] =	vst v63  }
0x10: {  	_ =	swait.ge [sflag:s10], $0x2000  }
0x11: {  	[sflag:s10] =	ssyncset.done $0x0  }
0x12: {  	[sflag:s10] =	ssyncadd.s32 $0xFFFFE000  }
0x13: {  	s12 =	simm.s32 $0x1;
	s13 =	simm.s32 $0x0;
	s14 =	simm.s32 $0x0;
	v2 =	vld [tilespmem:s2+$0x0]  }
.LBB2_2:
0x14: {  	p0 =	sne.s32 s12, $0x1FF;
	_ =	sdelay $0x2  }
0x15: {  	s15 =	sshrl.u32 s13, $0x1;
	s13 =	smov.u32 s12  }
0x16: {  	v3 =	vmov s15;
	v4 =	vshra.s32 v2, $0x2  }
0x17: {  	v5 =	vshll.u32 v3, $0x8;
	v6 =	vshll.u32 v4, $0x3  }
0x18: {  	v3 =	vshll.u32 v3, $0x7;
	v5 =	vand.u32 $0xF800, v5;
	v6 =	vand.u32 $0xFFFFFC00, v6  }
0x19: {  	v3 =	vand.u32 $0x380, v3;
	v5 =	vadd.s32 v5, v6  }
0x1a: {  	v4 =	vand.u32 $0x7F, v4;
	v3 =	vor.u32 v3, v5  }
0x1b: {  	v3 =	vor.u32 v4, v3;
	_ =	sdelay $0x1  }
.Ltmp0:
0x1c: {  	v2 =	vshll.u32 v2, $0x3;
	(pc) =	sbr.rel @p0 .LBB2_2-.Ltmp0, $4  }
0x1d: {  	v2 =	vand.u32 $0x18, v2  }
0x1e: {  	v2 =	vshll.u32 v0, v2  }
0x1f: {  	s14 =	sadd.s32 $0x10, s14;
	[tilespmem:v3+s9+$0x0] =	vst.idx.add.s32.msk $0xffff, v2  }
0x20: {  	s12 =	sadd.s32 $0x1, s12;
	v2 =	vld [tilespmem:s14+$0x0]  }
0x21: {  	_ =	sdelay $0x2  }
0x22: {  	s12 =	sshrl.u32 s13, $0x1  }
0x23: {  	v3 =	vmov s12;
	v4 =	vshra.s32 v2, $0x2  }
0x24: {  	v5 =	vshll.u32 v3, $0x8;
	v6 =	vshll.u32 v4, $0x3  }
0x25: {  	v3 =	vshll.u32 v3, $0x7;
	v5 =	vand.u32 $0xF800, v5;
	v6 =	vand.u32 $0xFFFFFC00, v6  }
0x26: {  	v3 =	vand.u32 $0x380, v3;
	v5 =	vadd.s32 v5, v6  }
0x27: {  	v4 =	vand.u32 $0x7F, v4;
	v3 =	vor.u32 v3, v5  }
0x28: {  	v3 =	vor.u32 v4, v3;
	_ =	sdelay $0x1  }
0x29: {  	v2 =	vshll.u32 v2, $0x3  }
0x2a: {  	v2 =	vand.u32 $0x18, v2  }
0x2b: {  	v2 =	vshll.u32 v0, v2  }
0x2c: {  	s12 =	simm.s32 $0x0;
	[tilespmem:v3+s9+$0x0] =	vst.idx.add.s32.msk $0xffff, v2  }
0x2d: {  	[hbm4b:s5+s12] =	stream.linear.scatter [tilespmem:s9], [sflag:$0x1], $0x10000, $0x38;
	[tilespmem:$0x12000] =	vst v63  }
0x2e: {  	_ =	swait.ge [sflag:s10], $0x10000  }
0x2f: {  	[sflag:s10] =	ssyncset.done $0x0  }
0x30: {  	[sflag:s10] =	ssyncadd.s32 $0xFFFF0000  }
0x31: {  	s13 =	simm.s32 $0x1;
	s14 =	simm.s32 $0x0;
	v2 =	vld [tilespmem:s12+$0x0]  }
.LBB2_4:
0x32: {  	p0 =	sne.s32 s13, $0x1FF;
	_ =	sdelay $0x2  }
0x33: {  	s15 =	sshrl.u32 s12, $0x1;
	s12 =	smov.u32 s13  }
0x34: {  	v3 =	vmov s15;
	v4 =	vshra.s32 v2, $0x2  }
0x35: {  	v5 =	vshll.u32 v3, $0x8;
	v6 =	vshll.u32 v4, $0x3  }
0x36: {  	v3 =	vshll.u32 v3, $0x7;
	v5 =	vand.u32 $0xF800, v5;
	v6 =	vand.u32 $0xFFFFFC00, v6  }
0x37: {  	v3 =	vand.u32 $0x380, v3;
	v5 =	vadd.s32 v5, v6  }
0x38: {  	v4 =	vand.u32 $0x7F, v4;
	v3 =	vor.u32 v3, v5  }
0x39: {  	v3 =	vor.u32 v4, v3;
	_ =	sdelay $0x1  }
.Ltmp1:
0x3a: {  	v2 =	vshll.u32 v2, $0x3;
	(pc) =	sbr.rel @p0 .LBB2_4-.Ltmp1, $4  }
0x3b: {  	v2 =	vand.u32 $0x18, v2  }
0x3c: {  	v2 =	vshll.u32 v1, v2  }
0x3d: {  	s14 =	sadd.s32 $0x10, s14;
	[tilespmem:v3+s9+$0x0] =	vst.idx.add.s32.msk $0xffff, v2  }
0x3e: {  	s13 =	sadd.s32 $0x1, s13;
	v2 =	vld [tilespmem:s14+$0x0]  }
0x3f: {  	_ =	sdelay $0x2  }
0x40: {  	s12 =	sshrl.u32 s12, $0x1  }
0x41: {  	v3 =	vmov s12;
	v4 =	vshra.s32 v2, $0x2  }
0x42: {  	v5 =	vshll.u32 v3, $0x8;
	v6 =	vshll.u32 v4, $0x3  }
0x43: {  	v3 =	vshll.u32 v3, $0x7;
	v5 =	vand.u32 $0xF800, v5;
	v6 =	vand.u32 $0xFFFFFC00, v6  }
0x44: {  	v3 =	vand.u32 $0x380, v3;
	v5 =	vadd.s32 v5, v6  }
0x45: {  	v4 =	vand.u32 $0x7F, v4;
	v3 =	vor.u32 v3, v5  }
0x46: {  	v3 =	vor.u32 v4, v3;
	_ =	sdelay $0x1  }
0x47: {  	v2 =	vshll.u32 v2, $0x3  }
0x48: {  	v2 =	vand.u32 $0x18, v2  }
0x49: {  	v2 =	vshll.u32 v1, v2  }
0x4a: {  	s12 =	simm.s32 $0x0;
	[tilespmem:v3+s9+$0x0] =	vst.idx.add.s32.msk $0xffff, v2  }
0x4b: {  	[tilespmem:s12], [sflag:$0x1] =	stream.linear.gather [hbm4b:s6+s12], $0x2000, $0x38;
	[tilespmem:$0x12000] =	vst v63  }
0x4c: {  	_ =	swait.ge [sflag:s10], $0x2000  }
0x4d: {  	[sflag:s10] =	ssyncset.done $0x0  }
0x4e: {  	[sflag:s10] =	ssyncadd.s32 $0xFFFFE000  }
0x4f: {  	s13 =	simm.s32 $0x1;
	s14 =	simm.s32 $0x0;
	v2 =	vld [tilespmem:s12+$0x0]  }
.LBB2_6:
0x50: {  	p0 =	sne.s32 s13, $0x1FF;
	_ =	sdelay $0x2  }
0x51: {  	s15 =	sshrl.u32 s12, $0x1;
	s12 =	smov.u32 s13  }
0x52: {  	v3 =	vmov s15;
	v4 =	vshra.s32 v2, $0x2  }
0x53: {  	v5 =	vshll.u32 v3, $0x8;
	v6 =	vshll.u32 v4, $0x3  }
0x54: {  	v3 =	vshll.u32 v3, $0x7;
	v5 =	vand.u32 $0xF800, v5;
	v6 =	vand.u32 $0xFFFFFC00, v6  }
0x55: {  	v3 =	vand.u32 $0x380, v3;
	v5 =	vadd.s32 v5, v6  }
0x56: {  	v4 =	vand.u32 $0x7F, v4;
	v3 =	vor.u32 v3, v5  }
0x57: {  	v3 =	vor.u32 v4, v3;
	_ =	sdelay $0x1  }
.Ltmp2:
0x58: {  	v2 =	vshll.u32 v2, $0x3;
	(pc) =	sbr.rel @p0 .LBB2_6-.Ltmp2, $4  }
0x59: {  	v2 =	vand.u32 $0x18, v2  }
0x5a: {  	v2 =	vshll.u32 v0, v2  }
0x5b: {  	s14 =	sadd.s32 $0x10, s14;
	[tilespmem:v3+s9+$0x0] =	vst.idx.add.s32.msk $0xffff, v2  }
0x5c: {  	s13 =	sadd.s32 $0x1, s13;
	v2 =	vld [tilespmem:s14+$0x0]  }
0x5d: {  	_ =	sdelay $0x2  }
0x5e: {  	s12 =	sshrl.u32 s12, $0x1  }
0x5f: {  	v3 =	vmov s12;
	v4 =	vshra.s32 v2, $0x2  }
0x60: {  	v5 =	vshll.u32 v3, $0x8;
	v6 =	vshll.u32 v4, $0x3  }
0x61: {  	v3 =	vshll.u32 v3, $0x7;
	v5 =	vand.u32 $0xF800, v5;
	v6 =	vand.u32 $0xFFFFFC00, v6  }
0x62: {  	v3 =	vand.u32 $0x380, v3;
	v5 =	vadd.s32 v5, v6  }
0x63: {  	v4 =	vand.u32 $0x7F, v4;
	v3 =	vor.u32 v3, v5  }
0x64: {  	v3 =	vor.u32 v4, v3;
	_ =	sdelay $0x1  }
0x65: {  	v2 =	vshll.u32 v2, $0x3  }
0x66: {  	s11 =	sadd.s32 $0x1, s11;
	v2 =	vand.u32 $0x18, v2  }
0x67: {  	p0 =	sne.s32 s11, s8;
	v2 =	vshll.u32 v0, v2  }
.Ltmp3:
0x68: {  	[tilespmem:v3+s9+$0x0] =	vst.idx.add.s32.msk $0xffff, v2;
	(pc) =	sbr.rel @p0 .LBB2_1-.Ltmp3, $4  }
0x69: {  	[hbm4b:s7+s2] =	stream.linear.scatter [tilespmem:s9], [sflag:$0x1], $0x10000, $0x38;
	[tilespmem:$0x12000] =	vst v63  }
0x6a: {  	_ =	swait.ge [sflag:s10], $0x10000  }
0x6b: {  	[sflag:s10] =	ssyncset.done $0x0  }
0x6c: {  	[sflag:s10] =	ssyncadd.s32 $0xFFFF0000  }
0x6d: {  	_ =	sfence.sel $0x180000  }
0x6e: {  	[bflag:$0x0] =	sbarrier.arrive $0xFFFF  }
0x6f: {  	p0 =	sne.s32 s1, $0x0;
	_ =	strace $0x9000004A  }
0x70: {  	s0 =	sadd.s32 @!p0 $0x100000, s0;
	[bflag:$0x2] =	sbarrier.arrive $0xFFFF  }
0x71: {  	[sflag:s0] =	ssyncadd.tile.s32 @!p0 $0x1;
	_ =	shalt  }
.Lfunc_end2:
_tile_overlayer_lowered:
.L_overlay_start_2:
0x72: {  	(tag) =	ssettag $0x2  }
0x73: {  	s0 =	rddreg [dreg:$0x0];
	s2 =	stileid.u32  }
0x74: {  	s1 =	rddreg [dreg:$0x1];
	p0 =	sne.s32 s2, $0x0  }
0x75: {  	s3 =	rddreg [dreg:$0x2];
	[bflag:$0x3] =	sbarrier.arrive $0xFFFF;
	s2 =	simm.s32 @!p0 $0x1C01  }
0x76: {  	[timem:s3], [sflag:s2] =	dma.local @!p0 [hbm:s0], s1  }
0x77: {  	s0 =	simm.s32 @!p0 $0x1  }
0x78: {  	_ =	swait.ge @!p0 [sflag:s0], s1  }
0x79: {  	s1 =	ssub.s32 @!p0 $0x0, s1;
	[sflag:s0] =	ssyncset.done @!p0 $0x0  }
0x7a: {  	[sflag:s0] =	ssyncadd.s32 @!p0 s1  }
0x7b: {  	[bflag:$0x3] =	sbarrier.arrive $0xFFFF  }
0x7c: {  	_ =	shalt  }

// kernel: kernel.9.cloned.1.call-start
scs
__scs_entry_jumppad:
0x0: {  	(pc) =	sbr.rel $0x88, $3  }
0x1: {  	(tag) =	ssettag $0x0;
	lr =	simm.s32 $0x1  }
0x2: {  	[smem:$0x3F9B] =	sst lr;
	_ =	strace $0xD0000000  }
0x3: {  	_ = 	snop  }
0x4: {  	_ = 	snop  }
0x5: {  	_ = 	snop  }
0x6: {  	_ = 	snop  }
0x7: {  	_ = 	snop  }
__scs_overlays_trampoline_lowered:
0x8: {  	[smem:$0x3FAA] =	sst s0  }
0x9: {  	[smem:$0x3FAB] =	sst s1  }
0xa: {  	[smem:$0x3FAC] =	sst s2  }
0xb: {  	[smem:$0x3FAD] =	sst s3  }
0xc: {  	[smem:$0x3FAE] =	sst s4  }
0xd: {  	[smem:$0x3FAF] =	sst s5  }
0xe: {  	[smem:$0x3FB0] =	sst s6  }
0xf: {  	[smem:$0x3FB1] =	sst s7  }
0x10: {  	[smem:$0x3FB2] =	sst s8  }
0x11: {  	[smem:$0x3FB3] =	sst s9;
	s0 =	simm.s32 @!p0 $0x0  }
0x12: {  	s1 =	sld [smem:$0x3F99];
	s0 =	simm.s32 @p0 $0x1  }
0x13: {  	[smem:$0x3FB4] =	sst s0;
	s0 =	simm.s32 @!p1 $0x0  }
0x14: {  	s2 =	sld [smem:$0x3F98];
	s0 =	simm.s32 @p1 $0x1  }
0x15: {  	[smem:$0x3FB5] =	sst s0;
	s0 =	simm.s32 @!p2 $0x0  }
0x16: {  	s3 =	sld [smem:$0x3FDB];
	s0 =	simm.s32 @p2 $0x1  }
0x17: {  	s4 =	simm.s32 $0x1BF5;
	[smem:$0x3FB7] =	sst s0  }
0x18: {  	s0 =	sld [smem:$0x3F9A];
	_ =	swait.ge [sflag:s4], $0x0  }
0x19: {  	s7 =	sld [smem:$0x3F9B]  }
0x1a: {  	s8 =	sadd.s32 $0xFFFFE003, lr  }
0x1b: {  	s9 =	sadd.s32 $0xFFFFFEF7, lr;
	s5 =	simm.s32 $0xFFFFFFFF;
	p2 =	slt.u32 s8, $0xFFFFF086  }
0x1c: {  	p1 =	slt.u32 s9, $0xF7A;
	s5 =	simm.s32 @!p2 $0x0  }
0x1d: {  	s5 =	simm.s32 @p1 $0x1;
	p0 =	seq.s32 s7, s2  }
0x1e: {  	s7 =	smul.u32 @!p0 $0xF7A, s2;
	p2 =	seq.s32 @!p0 s5, $0x0  }
0x1f: {  	s9 =	smul.u32 $0xF7A, s1;
	s8 =	simm.s32 @!p0 $0x1BF5;
	p2 =	por !p2, p0  }
0x20: {  	[sflag:s8] =	ssyncset.s32 @!p0 $0xFFFFF086;
	s6 =	sadd.s32 @!p0 s3, s7;
	s7 =	simm.s32 @!p0 $0x108  }
0x21: {  	s3 =	sadd.s32 s3, s9;
	s6 =	sadd.s32 @!p0 $0x88, s6;
	s7 =	simm.s32 @p2 $0x1082  }
0x22: {  	[simem:s7], [sflag:s8] =	dma.local @!p0 [hbm:s6], $0xF7A  }
0x23: {  	s9 =	sor.u32 $0xD0000000, s2;
	s6 =	simm.s32 $0x108;
	_ =	swait.ge @!p0 [sflag:s8], $0x0  }
0x24: {  	s3 =	sadd.s32 $0x88, s3;
	s6 =	simm.s32 @!p1 $0x1082;
	[sflag:s4] =	ssyncset.s32 $0xFFFFF086  }
0x25: {  	[simem:s6], [sflag:s4] =	dma.local [hbm:s3], $0xF7A  }
0x26: {  	[smem:$0x3F9B] =	sst s1;
	(tag) =	ssettag s2;
	_ =	strace s9  }
0x27: {  	s1 =	sld [smem:$0x3FAB]  }
0x28: {  	s2 =	sld [smem:$0x3FAC]  }
0x29: {  	s4 =	sld [smem:$0x3FAE]  }
0x2a: {  	p0 =	seq.s32 s5, $0x0;
	s5 =	sld [smem:$0x3FAF]  }
0x2b: {  	s6 =	sld [smem:$0x3FB0]  }
0x2c: {  	s7 =	sld [smem:$0x3FB1]  }
0x2d: {  	s3 =	simm.s32 $0x108;
	s8 =	sld [smem:$0x3FB2]  }
0x2e: {  	s3 =	simm.s32 @!p0 $0x1082;
	s9 =	sld [smem:$0x3FB3]  }
0x2f: {  	lr =	sadd.s32 s0, s3;
	s0 =	sld [smem:$0x3FAA]  }
0x30: {  	s3 =	sld [smem:$0x3FAD]  }
0x31: {  	[smem:$0x3FB6] =	sst s10  }
0x32: {  	s10 =	sld [smem:$0x3FB4];
	_ =	sdelay $0x3  }
0x33: {  	p0 =	seq.s32 s10, $0x1;
	s10 =	sld [smem:$0x3FB6];
	_ =	sdelay $0x3  }
0x34: {  	[smem:$0x3FB6] =	sst s10  }
0x35: {  	s10 =	sld [smem:$0x3FB5];
	_ =	sdelay $0x3  }
0x36: {  	p1 =	seq.s32 s10, $0x1;
	s10 =	sld [smem:$0x3FB6];
	_ =	sdelay $0x3  }
0x37: {  	[smem:$0x3FB6] =	sst s10  }
0x38: {  	s10 =	sld [smem:$0x3FB7]  }
0x39: {  	_ = 	snop;
	(pc) =	sbr.ind lr, $3  }
0x3a: {  	_ = 	snop  }
0x3b: {  	_ = 	snop  }
0x3c: {  	p2 =	seq.s32 s10, $0x1;
	s10 =	sld [smem:$0x3FB6]  }
0x3d: {  	_ =	shalt  }
0x3e: {  	_ =	shalt  }
0x3f: {  	_ =	shalt  }
0x40: {  	_ =	shalt  }
0x41: {  	_ =	shalt  }
0x42: {  	_ =	shalt  }
0x43: {  	_ =	shalt  }
0x44: {  	_ =	shalt  }
0x45: {  	_ =	shalt  }
0x46: {  	_ =	shalt  }
0x47: {  	_ =	shalt  }
0x48: {  	_ =	shalt  }
0x49: {  	_ =	shalt  }
0x4a: {  	_ =	shalt  }
0x4b: {  	_ =	shalt  }
0x4c: {  	_ =	shalt  }
0x4d: {  	_ =	shalt  }
0x4e: {  	_ =	shalt  }
0x4f: {  	_ =	shalt  }
0x50: {  	_ =	shalt  }
0x51: {  	_ =	shalt  }
0x52: {  	_ =	shalt  }
0x53: {  	_ =	shalt  }
0x54: {  	_ =	shalt  }
0x55: {  	_ =	shalt  }
0x56: {  	_ =	shalt  }
0x57: {  	_ =	shalt  }
0x58: {  	_ =	shalt  }
0x59: {  	_ =	shalt  }
0x5a: {  	_ =	shalt  }
0x5b: {  	_ =	shalt  }
0x5c: {  	_ =	shalt  }
0x5d: {  	_ =	shalt  }
0x5e: {  	_ =	shalt  }
0x5f: {  	_ =	shalt  }
0x60: {  	_ =	shalt  }
0x61: {  	_ =	shalt  }
0x62: {  	_ =	shalt  }
0x63: {  	_ =	shalt  }
0x64: {  	_ =	shalt  }
0x65: {  	_ =	shalt  }
0x66: {  	_ =	shalt  }
0x67: {  	_ =	shalt  }
0x68: {  	_ =	shalt  }
0x69: {  	_ =	shalt  }
0x6a: {  	_ =	shalt  }
0x6b: {  	_ =	shalt  }
0x6c: {  	_ =	shalt  }
0x6d: {  	_ =	shalt  }
0x6e: {  	_ =	shalt  }
0x6f: {  	_ =	shalt  }
0x70: {  	_ =	shalt  }
0x71: {  	_ =	shalt  }
0x72: {  	_ =	shalt  }
0x73: {  	_ =	shalt  }
0x74: {  	_ =	shalt  }
0x75: {  	_ =	shalt  }
0x76: {  	_ =	shalt  }
0x77: {  	_ =	shalt  }
0x78: {  	_ =	shalt  }
0x79: {  	_ =	shalt  }
0x7a: {  	_ =	shalt  }
0x7b: {  	_ =	shalt  }
0x7c: {  	_ =	shalt  }
0x7d: {  	_ =	shalt  }
0x7e: {  	_ =	shalt  }
0x7f: {  	_ =	shalt  }
0x80: {  	_ =	shalt  }
0x81: {  	_ =	shalt  }
0x82: {  	_ =	shalt  }
0x83: {  	_ =	shalt  }
0x84: {  	_ =	shalt  }
0x85: {  	_ =	shalt  }
0x86: {  	_ =	shalt  }
0x87: {  	_ =	shalt  }
.Lfunc_end0:
.L_simem_size_0:
called_computation.1_lowered:
.L_overlay_start_0:
0x88: {  	s2 =	sld [smem:$0x3FD9]  }
0x89: {  	s3 =	sld [smem:$0x3FFE];
	_ =	sdelay $0x1  }
0x8a: {  	s1 =	srdreg.scid  }
0x8b: {  	s0 =	sand.u32 $0x1, s1  }
0x8c: {  	s16 =	sshll.u32 s0, $0xA;
	s2 =	sadd.s32 s3, s2  }
0x8d: {  	s2 =	sadd.s32 s2, s16  }
0x8e: {  	[smem:$0x3FC2] =	sst s2  }
0x8f: {  	_ = 	snop  }
0x90: {  	(tm) =	ssettm $0x1  }
0x91: {  	s17 =	sld [smem:$0x3FFB];
	_ =	sdelay $0x3  }
0x92: {  	_ =	strace s17  }
0x93: {  	s2 =	sld [smem:$0x3FFC];
	_ =	sdelay $0x3  }
0x94: {  	_ =	strace s2  }
0x95: {  	s2 =	sld [smem:$0x3FFD];
	_ =	sdelay $0x3  }
0x96: {  	_ =	strace s2  }
0x97: {  	_ =	strace $0x8FFFFFFF  }
0x98: {  	s18 =	sld [smem:$0x3FDB];
	_ =	sdelay $0x1  }
0x99: {  	s19 =	simm.s32 $_scs_section_size  }
0x9a: {  	s4 =	simm.s32 $_size__tile_overlayer_lowered;
	s5 =	simm.s32 $_tile_overlayer_lowered  }
0x9b: {  	s22 =	simm.s32 $0x1BFF;
	s21 =	sshll.u32 s5, $0x1;
	s2 =	sadd.s32 s19, s18  }
0x9c: {  	s6 =	simm.s32 $0x0;
	s20 =	sshll.u32 s4, $0x1;
	s4 =	sadd.s32 s21, s2  }
0x9d: {  	[timem:s6], [sflag:s22] =	dma.local [hbm:s4], s20  }
0x9e: {  	_ =	swait.ge [sflag:s22], s20  }
0x9f: {  	s3 =	ssub.s32 $0x0, s20;
	[sflag:s22] =	ssyncset.done $0x0  }
0xa0: {  	[sflag:s22] =	ssyncadd.s32 s3;
	_ =	sdelay $0x1  }
0xa1: {  	s23 =	simm.s32 $0x1B8B  }
0xa2: {  	_ =	swait.ge [sflag:s23], $0x1  }
0xa3: {  	[sflag:s23] =	ssyncset.done $0x0  }
0xa4: {  	s25 =	simm.s32 $0x1B8E;
	s24 =	sld [smem:$0x3FFE];
	[sflag:s23] =	ssyncadd.s32 $0xFFFFFFFF  }
0xa5: {  	s26 =	simm.s32 $execute0_lowered;
	[smem:$0x3FD2] =	sst s25  }
0xa6: {  	s4 =	sshll.u32 s26, $0x1;
	_ =	strace $0x80000046;
	[dreg:$0x1] =	wrdreg $0xFFFFFFFF  }
0xa7: {  	s28 =	simm.s32 $_size_execute0_lowered;
	s2 =	sadd.s32 s2, s4;
	[dreg:$0x0] =	wrdreg $0x0  }
0xa8: {  	s4 =	sshll.u32 s28, $0x1;
	[dreg:$0x2] =	wrdreg s2  }
0xa9: {  	[dreg:$0x3] =	wrdreg s4  }
0xaa: {  	[dreg:$0x4] =	wrdreg $0xC0  }
0xab: {  	_ =	task [dreg:s6], $0x5FFFF  }
0xac: {  	[dreg:$0x1] =	wrdreg $0xFFFFFFFF  }
0xad: {  	[dreg:$0x0] =	wrdreg $0x60  }
0xae: {  	[dreg:$0x2] =	wrdreg s24  }
0xaf: {  	[dreg:$0x3] =	wrdreg $0xA  }
0xb0: {  	_ =	task.clear_ibuf [dreg:s6], $0x4FFFF;
	_ =	strace $0x90000046  }
0xb1: {  	s29 =	simm.s32 $0xA;
	_ =	strace $0x80000048  }
0xb2: {  	_ =	swait.ge [sflag:s29], $0x1  }
0xb3: {  	[sflag:s29] =	ssyncadd.s32 $0xFFFFFFFF  }
0xb4: {  	_ =	strace $0x90000048  }
0xb5: {  	_ =	sfence  }
0xb6: {  	s30 =	sld [smem:$0x0];
	_ =	sdelay $0x2  }
0xb7: {  	s31 =	sshll.u32 s1, $0xD;
	s1 =	sshrl.u32 s1, $0x2  }
0xb8: {  	s3 =	sand.u32 $0x4000, s31;
	s1 =	sadd.s32 s1, s30  }
0xb9: {  	s0 =	sor.u32 s3, s0;
	s1 =	sshll.u32 s1, $0x11  }
0xba: {  	s0 =	sor.u32 s1, s0  }
0xbb: {  	s0 =	sadd.s32 $0x8F2B, s0  }
0xbc: {  	[sflag:s0] =	ssyncadd.remote.s32 $0x1  }
0xbd: {  	_ =	sfence.sel $0xFFFF  }
0xbe: {  	[dreg:$0x0] =	wrdreg $0xFFFFFFFF;
	(pc) =	sbr.abs _section_cstart, $3  }
0xbf: {  	[dreg:$0x1] =	wrdreg $0xFFFFFFFF  }
0xc0: {  	_ =	task.clear_ibuf [dreg:s6], $0x2FFFF;
	_ =	strace $0x9FFFFFFF  }
0xc1: {  	(tm) =	ssettm $0x7FFFFFFF  }
tec
execute0_lowered:
.L_overlay_start_1:
0x0: {  	(tag) =	ssettag $0x1  }
0x1: {  	s4 =	rddreg [dreg:$0x0]  }
0x2: {  	s0 =	rddreg [dreg:$0x1]  }
0x3: {  	s3 =	srdreg.scid;
	s1 =	stileid.u32;
	s2 =	simm.s32 $0x0  }
0x4: {  	s10 =	simm.s32 $0x1;
	s3 =	sand.u32 $0x1, s3;
	s5 =	sshll.u32 s1, $0x1  }
0x5: {  	s11 =	simm.s32 $0x0;
	[smem:$0x7FF] =	sst s2;
	s5 =	sor.u32 s3, s5  }
0x6: {  	_ =	strace $0x80000047;
	s7 =	ssub.s32 $0x2, s3;
	s3 =	sadd.s32 $0x12800, s4  }
0x7: {  	s6 =	sshll.u32 s5, $0xA;
	s5 =	sshll.u32 s5, $0xD;
	s31 =	sshrl.u32 s7, $0x1  }
0x8: {  	s6 =	sadd.s32 s6, s4;
	s8 =	sadd.s32 s5, s4;
	s9 =	ssub.s32 s7, s31  }
0x9: {  	s4 =	sadd.s32 $0x2800, s6;
	s5 =	sadd.s32 $0x14800, s8;
	s6 =	sadd.s32 $0xA800, s6  }
0xa: {  	v0 =	vimm.s32 $0x1;
	v1 =	vimm.s32 $0xFFFFFFFF;
	s7 =	sadd.s32 $0x54800, s8;
	s8 =	smax.u32 s9, $0x1;
	s9 =	simm.s32 $0x2000  }
.LBB2_1:
0xb: {  	[tilespmem:s9], [sflag:$0x1] =	stream.linear.gather [hbm4b:s3+s2], $0x10000, $0x38;
	[tilespmem:$0x12000] =	vst v63  }
0xc: {  	_ =	swait.ge [sflag:s10], $0x10000  }
0xd: {  	[sflag:s10] =	ssyncset.done $0x0  }
0xe: {  	[sflag:s10] =	ssyncadd.s32 $0xFFFF0000  }
0xf: {  	[tilespmem:s2], [sflag:$0x1] =	stream.linear.gather [hbm4b:s4+s2], $0x2000, $0x38;
	[tilespmem:$0x12000] =	vst v63  }
0x10: {  	_ =	swait.ge [sflag:s10], $0x2000  }
0x11: {  	[sflag:s10] =	ssyncset.done $0x0  }
0x12: {  	[sflag:s10] =	ssyncadd.s32 $0xFFFFE000  }
0x13: {  	s12 =	simm.s32 $0x1;
	s13 =	simm.s32 $0x0;
	s14 =	simm.s32 $0x0;
	v2 =	vld [tilespmem:s2+$0x0]  }
.LBB2_2:
0x14: {  	p0 =	sne.s32 s12, $0x1FF;
	_ =	sdelay $0x2  }
0x15: {  	s15 =	sshrl.u32 s13, $0x1;
	s13 =	smov.u32 s12  }
0x16: {  	v3 =	vmov s15;
	v4 =	vshra.s32 v2, $0x2  }
0x17: {  	v5 =	vshll.u32 v3, $0x8;
	v6 =	vshll.u32 v4, $0x3  }
0x18: {  	v3 =	vshll.u32 v3, $0x7;
	v5 =	vand.u32 $0xF800, v5;
	v6 =	vand.u32 $0xFFFFFC00, v6  }
0x19: {  	v3 =	vand.u32 $0x380, v3;
	v5 =	vadd.s32 v5, v6  }
0x1a: {  	v4 =	vand.u32 $0x7F, v4;
	v3 =	vor.u32 v3, v5  }
0x1b: {  	v3 =	vor.u32 v4, v3;
	_ =	sdelay $0x1  }
.Ltmp0:
0x1c: {  	v2 =	vshll.u32 v2, $0x3;
	(pc) =	sbr.rel @p0 .LBB2_2-.Ltmp0, $4  }
0x1d: {  	v2 =	vand.u32 $0x18, v2  }
0x1e: {  	v2 =	vshll.u32 v0, v2  }
0x1f: {  	s14 =	sadd.s32 $0x10, s14;
	[tilespmem:v3+s9+$0x0] =	vst.idx.add.s32.msk $0xffff, v2  }
0x20: {  	s12 =	sadd.s32 $0x1, s12;
	v2 =	vld [tilespmem:s14+$0x0]  }
0x21: {  	_ =	sdelay $0x2  }
0x22: {  	s12 =	sshrl.u32 s13, $0x1  }
0x23: {  	v3 =	vmov s12;
	v4 =	vshra.s32 v2, $0x2  }
0x24: {  	v5 =	vshll.u32 v3, $0x8;
	v6 =	vshll.u32 v4, $0x3  }
0x25: {  	v3 =	vshll.u32 v3, $0x7;
	v5 =	vand.u32 $0xF800, v5;
	v6 =	vand.u32 $0xFFFFFC00, v6  }
0x26: {  	v3 =	vand.u32 $0x380, v3;
	v5 =	vadd.s32 v5, v6  }
0x27: {  	v4 =	vand.u32 $0x7F, v4;
	v3 =	vor.u32 v3, v5  }
0x28: {  	v3 =	vor.u32 v4, v3;
	_ =	sdelay $0x1  }
0x29: {  	v2 =	vshll.u32 v2, $0x3  }
0x2a: {  	v2 =	vand.u32 $0x18, v2  }
0x2b: {  	v2 =	vshll.u32 v0, v2  }
0x2c: {  	s12 =	simm.s32 $0x0;
	[tilespmem:v3+s9+$0x0] =	vst.idx.add.s32.msk $0xffff, v2  }
0x2d: {  	[hbm4b:s5+s12] =	stream.linear.scatter [tilespmem:s9], [sflag:$0x1], $0x10000, $0x38;
	[tilespmem:$0x12000] =	vst v63  }
0x2e: {  	_ =	swait.ge [sflag:s10], $0x10000  }
0x2f: {  	[sflag:s10] =	ssyncset.done $0x0  }
0x30: {  	[sflag:s10] =	ssyncadd.s32 $0xFFFF0000  }
0x31: {  	s13 =	simm.s32 $0x1;
	s14 =	simm.s32 $0x0;
	v2 =	vld [tilespmem:s12+$0x0]  }
.LBB2_4:
0x32: {  	p0 =	sne.s32 s13, $0x1FF;
	_ =	sdelay $0x2  }
0x33: {  	s15 =	sshrl.u32 s12, $0x1;
	s12 =	smov.u32 s13  }
0x34: {  	v3 =	vmov s15;
	v4 =	vshra.s32 v2, $0x2  }
0x35: {  	v5 =	vshll.u32 v3, $0x8;
	v6 =	vshll.u32 v4, $0x3  }
0x36: {  	v3 =	vshll.u32 v3, $0x7;
	v5 =	vand.u32 $0xF800, v5;
	v6 =	vand.u32 $0xFFFFFC00, v6  }
0x37: {  	v3 =	vand.u32 $0x380, v3;
	v5 =	vadd.s32 v5, v6  }
0x38: {  	v4 =	vand.u32 $0x7F, v4;
	v3 =	vor.u32 v3, v5  }
0x39: {  	v3 =	vor.u32 v4, v3;
	_ =	sdelay $0x1  }
.Ltmp1:
0x3a: {  	v2 =	vshll.u32 v2, $0x3;
	(pc) =	sbr.rel @p0 .LBB2_4-.Ltmp1, $4  }
0x3b: {  	v2 =	vand.u32 $0x18, v2  }
0x3c: {  	v2 =	vshll.u32 v1, v2  }
0x3d: {  	s14 =	sadd.s32 $0x10, s14;
	[tilespmem:v3+s9+$0x0] =	vst.idx.add.s32.msk $0xffff, v2  }
0x3e: {  	s13 =	sadd.s32 $0x1, s13;
	v2 =	vld [tilespmem:s14+$0x0]  }
0x3f: {  	_ =	sdelay $0x2  }
0x40: {  	s12 =	sshrl.u32 s12, $0x1  }
0x41: {  	v3 =	vmov s12;
	v4 =	vshra.s32 v2, $0x2  }
0x42: {  	v5 =	vshll.u32 v3, $0x8;
	v6 =	vshll.u32 v4, $0x3  }
0x43: {  	v3 =	vshll.u32 v3, $0x7;
	v5 =	vand.u32 $0xF800, v5;
	v6 =	vand.u32 $0xFFFFFC00, v6  }
0x44: {  	v3 =	vand.u32 $0x380, v3;
	v5 =	vadd.s32 v5, v6  }
0x45: {  	v4 =	vand.u32 $0x7F, v4;
	v3 =	vor.u32 v3, v5  }
0x46: {  	v3 =	vor.u32 v4, v3;
	_ =	sdelay $0x1  }
0x47: {  	v2 =	vshll.u32 v2, $0x3  }
0x48: {  	v2 =	vand.u32 $0x18, v2  }
0x49: {  	v2 =	vshll.u32 v1, v2  }
0x4a: {  	s12 =	simm.s32 $0x0;
	[tilespmem:v3+s9+$0x0] =	vst.idx.add.s32.msk $0xffff, v2  }
0x4b: {  	[tilespmem:s12], [sflag:$0x1] =	stream.linear.gather [hbm4b:s6+s12], $0x2000, $0x38;
	[tilespmem:$0x12000] =	vst v63  }
0x4c: {  	_ =	swait.ge [sflag:s10], $0x2000  }
0x4d: {  	[sflag:s10] =	ssyncset.done $0x0  }
0x4e: {  	[sflag:s10] =	ssyncadd.s32 $0xFFFFE000  }
0x4f: {  	s13 =	simm.s32 $0x1;
	s14 =	simm.s32 $0x0;
	v2 =	vld [tilespmem:s12+$0x0]  }
.LBB2_6:
0x50: {  	p0 =	sne.s32 s13, $0x1FF;
	_ =	sdelay $0x2  }
0x51: {  	s15 =	sshrl.u32 s12, $0x1;
	s12 =	smov.u32 s13  }
0x52: {  	v3 =	vmov s15;
	v4 =	vshra.s32 v2, $0x2  }
0x53: {  	v5 =	vshll.u32 v3, $0x8;
	v6 =	vshll.u32 v4, $0x3  }
0x54: {  	v3 =	vshll.u32 v3, $0x7;
	v5 =	vand.u32 $0xF800, v5;
	v6 =	vand.u32 $0xFFFFFC00, v6  }
0x55: {  	v3 =	vand.u32 $0x380, v3;
	v5 =	vadd.s32 v5, v6  }
0x56: {  	v4 =	vand.u32 $0x7F, v4;
	v3 =	vor.u32 v3, v5  }
0x57: {  	v3 =	vor.u32 v4, v3;
	_ =	sdelay $0x1  }
.Ltmp2:
0x58: {  	v2 =	vshll.u32 v2, $0x3;
	(pc) =	sbr.rel @p0 .LBB2_6-.Ltmp2, $4  }
0x59: {  	v2 =	vand.u32 $0x18, v2  }
0x5a: {  	v2 =	vshll.u32 v0, v2  }
0x5b: {  	s14 =	sadd.s32 $0x10, s14;
	[tilespmem:v3+s9+$0x0] =	vst.idx.add.s32.msk $0xffff, v2  }
0x5c: {  	s13 =	sadd.s32 $0x1, s13;
	v2 =	vld [tilespmem:s14+$0x0]  }
0x5d: {  	_ =	sdelay $0x2  }
0x5e: {  	s12 =	sshrl.u32 s12, $0x1  }
0x5f: {  	v3 =	vmov s12;
	v4 =	vshra.s32 v2, $0x2  }
0x60: {  	v5 =	vshll.u32 v3, $0x8;
	v6 =	vshll.u32 v4, $0x3  }
0x61: {  	v3 =	vshll.u32 v3, $0x7;
	v5 =	vand.u32 $0xF800, v5;
	v6 =	vand.u32 $0xFFFFFC00, v6  }
0x62: {  	v3 =	vand.u32 $0x380, v3;
	v5 =	vadd.s32 v5, v6  }
0x63: {  	v4 =	vand.u32 $0x7F, v4;
	v3 =	vor.u32 v3, v5  }
0x64: {  	v3 =	vor.u32 v4, v3;
	_ =	sdelay $0x1  }
0x65: {  	v2 =	vshll.u32 v2, $0x3  }
0x66: {  	s11 =	sadd.s32 $0x1, s11;
	v2 =	vand.u32 $0x18, v2  }
0x67: {  	p0 =	sne.s32 s11, s8;
	v2 =	vshll.u32 v0, v2  }
.Ltmp3:
0x68: {  	[tilespmem:v3+s9+$0x0] =	vst.idx.add.s32.msk $0xffff, v2;
	(pc) =	sbr.rel @p0 .LBB2_1-.Ltmp3, $4  }
0x69: {  	[hbm4b:s7+s2] =	stream.linear.scatter [tilespmem:s9], [sflag:$0x1], $0x10000, $0x38;
	[tilespmem:$0x12000] =	vst v63  }
0x6a: {  	_ =	swait.ge [sflag:s10], $0x10000  }
0x6b: {  	[sflag:s10] =	ssyncset.done $0x0  }
0x6c: {  	[sflag:s10] =	ssyncadd.s32 $0xFFFF0000  }
0x6d: {  	_ =	sfence.sel $0x180000  }
0x6e: {  	[bflag:$0x0] =	sbarrier.arrive $0xFFFF  }
0x6f: {  	p0 =	sne.s32 s1, $0x0;
	_ =	strace $0x90000047  }
0x70: {  	s0 =	sadd.s32 @!p0 $0x100000, s0;
	[bflag:$0x2] =	sbarrier.arrive $0xFFFF  }
0x71: {  	[sflag:s0] =	ssyncadd.tile.s32 @!p0 $0x1;
	_ =	shalt  }
.Lfunc_end2:
_tile_overlayer_lowered:
.L_overlay_start_2:
0x72: {  	(tag) =	ssettag $0x2  }
0x73: {  	s0 =	rddreg [dreg:$0x0];
	s2 =	stileid.u32  }
0x74: {  	s1 =	rddreg [dreg:$0x1];
	p0 =	sne.s32 s2, $0x0  }
0x75: {  	s3 =	rddreg [dreg:$0x2];
	[bflag:$0x3] =	sbarrier.arrive $0xFFFF;
	s2 =	simm.s32 @!p0 $0x1C01  }
0x76: {  	[timem:s3], [sflag:s2] =	dma.local @!p0 [hbm:s0], s1  }
0x77: {  	s0 =	simm.s32 @!p0 $0x1  }
0x78: {  	_ =	swait.ge @!p0 [sflag:s0], s1  }
0x79: {  	s1 =	ssub.s32 @!p0 $0x0, s1;
	[sflag:s0] =	ssyncset.done @!p0 $0x0  }
0x7a: {  	[sflag:s0] =	ssyncadd.s32 @!p0 s1  }
0x7b: {  	[bflag:$0x3] =	sbarrier.arrive $0xFFFF  }
0x7c: {  	_ =	shalt  }

</sc_bundles>
